<compile_context>
chip_gen: v7x
topology: tpu7x:2x2x1
jax: 0.10.2.dev20260603
libtpu: 0.0.44.dev20260713+nightly
codegen_flags: <defaults>
</compile_context>

<pallas_src>
import functools

import jax
import jax.numpy as jnp
from jax import lax
from jax.experimental import pallas as pl
from jax.experimental.pallas import tpu as pltpu
from jax.experimental.pallas import tpu_sc as plsc

_N = 10000
_E = 320000
_F = 128
_NC = 2
_NS = 16
_NW = _NC * _NS
_EPW = _E // _NW
_CHUNK = 128
_NFULL = _EPW // _CHUNK
_TAIL = _EPW - _NFULL * _CHUNK
_N_PAD = 10240
_RPT = _N_PAD // _NS
_LAST = _N - (_NS - 1) * _RPT
_DEG_PAD = _N_PAD
_DPT = _DEG_PAD // _NS

_MESH = plsc.VectorSubcoreMesh(core_axis_name="c", subcore_axis_name="s")
_HIGH = lax.Precision.HIGHEST


def _deg_call(dst, ones_c, z_deg):

    @functools.partial(
        pl.kernel,
        out_type=jax.ShapeDtypeStruct((_NC, _DEG_PAD), jnp.float32),
        mesh=_MESH,
        scratch_types=[
            pltpu.VMEM((_CHUNK,), jnp.int32),
            pltpu.VMEM((_TAIL,), jnp.int32),
            pltpu.VMEM((_CHUNK,), jnp.float32),
            pltpu.VMEM_SHARED((_DEG_PAD,), jnp.float32),
        ],
    )
    def k(dst_hbm, ones_hbm, z_hbm, out_hbm, idx_v, idxt_v, ones_v, acc):
        c = lax.axis_index("c")
        s = lax.axis_index("s")
        wid = s * _NC + c
        pltpu.sync_copy(ones_hbm, ones_v)
        pltpu.sync_copy(z_hbm.at[pl.ds(s * _DPT, _DPT)],
                        acc.at[pl.ds(s * _DPT, _DPT)])
        plsc.subcore_barrier()
        base = wid * _EPW

        @pl.loop(0, _NFULL)
        def _(kk):
            pltpu.sync_copy(dst_hbm.at[pl.ds(base + kk * _CHUNK, _CHUNK)], idx_v)
            pltpu.sync_copy(ones_v, acc.at[idx_v], add=True)

        pltpu.sync_copy(dst_hbm.at[pl.ds(base + _NFULL * _CHUNK, _TAIL)], idxt_v)
        pltpu.sync_copy(ones_v.at[pl.ds(0, _TAIL)], acc.at[idxt_v], add=True)
        plsc.subcore_barrier()
        pltpu.sync_copy(acc.at[pl.ds(s * _DPT, _DPT)],
                        out_hbm.at[c, pl.ds(s * _DPT, _DPT)])

    return k(dst, ones_c, z_deg)


def _agg_call(y, src, dst, z_rows):

    @functools.partial(
        pl.kernel,
        out_type=jax.ShapeDtypeStruct((_NC, _N_PAD, _F), jnp.float32),
        mesh=_MESH,
        scratch_types=[
            pltpu.VMEM((_CHUNK,), jnp.int32),
            pltpu.VMEM((_CHUNK,), jnp.int32),
            pltpu.VMEM((_TAIL,), jnp.int32),
            pltpu.VMEM((_TAIL,), jnp.int32),
            pltpu.VMEM((_CHUNK, _F), jnp.float32),
            pltpu.VMEM_SHARED((_N_PAD, _F), jnp.float32),
            pltpu.SemaphoreType.DMA,
        ],
    )
    def k(y_hbm, src_hbm, dst_hbm, z_hbm, out_hbm,
          src_v, dst_v, srct_v, dstt_v, rows_v, acc, sem):
        c = lax.axis_index("c")
        s = lax.axis_index("s")
        wid = s * _NC + c
        r0 = s * _RPT

        @pl.when(c == 0)
        def _():
            @pl.when(s < _NS - 1)
            def _():
                pltpu.sync_copy(y_hbm.at[pl.ds(r0, _RPT)],
                                acc.at[pl.ds(r0, _RPT)])

            @pl.when(s == _NS - 1)
            def _():
                pltpu.sync_copy(y_hbm.at[pl.ds(r0, _LAST)],
                                acc.at[pl.ds(r0, _LAST)])

        @pl.when(c != 0)
        def _():
            @pl.when(s < _NS - 1)
            def _():
                pltpu.sync_copy(z_hbm.at[pl.ds(r0, _RPT)],
                                acc.at[pl.ds(r0, _RPT)])

            @pl.when(s == _NS - 1)
            def _():
                pltpu.sync_copy(z_hbm.at[pl.ds(r0, _LAST)],
                                acc.at[pl.ds(r0, _LAST)])

        plsc.subcore_barrier()
        base = wid * _EPW

        @pl.loop(0, _NFULL)
        def _(kk):
            off = base + kk * _CHUNK
            pltpu.sync_copy(src_hbm.at[pl.ds(off, _CHUNK)], src_v)
            pltpu.sync_copy(dst_hbm.at[pl.ds(off, _CHUNK)], dst_v)
            pltpu.async_copy(y_hbm.at[src_v], rows_v, sem).wait()
            pltpu.sync_copy(rows_v, acc.at[dst_v], add=True)

        offt = base + _NFULL * _CHUNK
        pltpu.sync_copy(src_hbm.at[pl.ds(offt, _TAIL)], srct_v)
        pltpu.sync_copy(dst_hbm.at[pl.ds(offt, _TAIL)], dstt_v)
        pltpu.async_copy(y_hbm.at[srct_v], rows_v.at[pl.ds(0, _TAIL)], sem).wait()
        pltpu.sync_copy(rows_v.at[pl.ds(0, _TAIL)], acc.at[dstt_v], add=True)

        plsc.subcore_barrier()
        pltpu.sync_copy(acc.at[pl.ds(r0, _RPT)], out_hbm.at[c, pl.ds(r0, _RPT)])

    return k(y, src, dst, z_rows)


_RBLK = 2000
_GRID = _N // _RBLK

_row_spec = pl.BlockSpec((_RBLK, _F), lambda i: (i, 0))
_col_spec = pl.BlockSpec((_RBLK, 1), lambda i: (i, 0))
_w_spec = pl.BlockSpec((_F, _F), lambda i: (0, 0))
_b_spec = pl.BlockSpec((_F,), lambda i: (0,))


def _tc1_call(x, deg0, deg1, W_g1, W_m1, b_m1, W_m2, b_m2):
    def body(x_ref, d0_ref, d1_ref, wg1_ref, wm1_ref, bm1_ref, wm2_ref, bm2_ref,
             y1_ref, m_ref, dinv_ref):
        d = d0_ref[...] + d1_ref[...]
        dinv = lax.rsqrt(d + 1.0)
        xv = x_ref[...]
        xw = jnp.dot(xv, wg1_ref[...], precision=_HIGH,
                     preferred_element_type=jnp.float32)
        y1_ref[...] = xw * dinv
        h = jnp.maximum(
            jnp.dot(xv, wm1_ref[...], precision=_HIGH,
                    preferred_element_type=jnp.float32) + bm1_ref[...], 0.0)
        m_ref[...] = jnp.dot(h, wm2_ref[...], precision=_HIGH,
                             preferred_element_type=jnp.float32) + bm2_ref[...]
        dinv_ref[...] = dinv

    return pl.pallas_call(
        body,
        grid=(_GRID,),
        in_specs=[_row_spec, _col_spec, _col_spec, _w_spec, _w_spec, _b_spec,
                  _w_spec, _b_spec],
        out_specs=(_row_spec, _row_spec, _col_spec),
        out_shape=(
            jax.ShapeDtypeStruct((_N, _F), jnp.float32),
            jax.ShapeDtypeStruct((_N, _F), jnp.float32),
            jax.ShapeDtypeStruct((_N, 1), jnp.float32),
        ),
    )(x, deg0, deg1, W_g1, W_m1, b_m1, W_m2, b_m2)


def _tc2_call(agg0, agg1, dinv, b_g1, W_g2):
    def body(a0_ref, a1_ref, dinv_ref, bg1_ref, wg2_ref, y2_ref):
        dinv = dinv_ref[...]
        g1 = jnp.maximum((a0_ref[...] + a1_ref[...]) * dinv + bg1_ref[...], 0.0)
        y2_ref[...] = jnp.dot(g1, wg2_ref[...], precision=_HIGH,
                              preferred_element_type=jnp.float32) * dinv

    return pl.pallas_call(
        body,
        grid=(_GRID,),
        in_specs=[_row_spec, _row_spec, _col_spec, _b_spec, _w_spec],
        out_specs=_row_spec,
        out_shape=jax.ShapeDtypeStruct((_N, _F), jnp.float32),
    )(agg0, agg1, dinv, b_g1, W_g2)


def _tc3_call(agg0, agg1, dinv, b_g2, m, W_f, b_f, alpha11):
    def body(a0_ref, a1_ref, dinv_ref, bg2_ref, m_ref, wf_ref, bf_ref, al_ref,
             out_ref):
        g2 = (a0_ref[...] + a1_ref[...]) * dinv_ref[...] + bg2_ref[...]
        wf = wf_ref[...]
        a = jnp.clip(al_ref[...], 0.0, 1.0)
        gt = jnp.dot(g2, wf[:_F], precision=_HIGH,
                     preferred_element_type=jnp.float32)
        mt = jnp.dot(m_ref[...], wf[_F:], precision=_HIGH,
                     preferred_element_type=jnp.float32)
        out_ref[...] = a * gt + (1.0 - a) * mt + bf_ref[...]

    return pl.pallas_call(
        body,
        grid=(_GRID,),
        in_specs=[_row_spec, _row_spec, _col_spec, _b_spec, _row_spec,
                  pl.BlockSpec((2 * _F, _F), lambda i: (0, 0)),
                  _b_spec,
                  pl.BlockSpec((1, 1), lambda i: (0, 0))],
        out_specs=_row_spec,
        out_shape=jax.ShapeDtypeStruct((_N, _F), jnp.float32),
    )(agg0, agg1, dinv, b_g2, m, W_f, b_f, alpha11)


def kernel(x, edge_index, W_g1, b_g1, W_g2, b_g2, W_m1, b_m1, W_m2, b_m2,
           W_f, b_f, alpha):
    src = edge_index[0]
    dst = edge_index[1]
    ones_c = jnp.ones((_CHUNK,), jnp.float32)
    z_deg = jnp.zeros((_DEG_PAD,), jnp.float32)
    z_rows = jnp.zeros((_N, _F), jnp.float32)
    alpha11 = jnp.reshape(alpha, (1, 1)).astype(jnp.float32)

    degp = _deg_call(dst, ones_c, z_deg)
    deg0 = degp[0].reshape(_DEG_PAD, 1)
    deg1 = degp[1].reshape(_DEG_PAD, 1)
    y1, m, dinv = _tc1_call(x, deg0, deg1, W_g1, W_m1, b_m1, W_m2, b_m2)
    aggp = _agg_call(y1, src, dst, z_rows)
    y2 = _tc2_call(aggp[0, :_N], aggp[1, :_N], dinv, b_g1, W_g2)
    aggp2 = _agg_call(y2, src, dst, z_rows)
    out = _tc3_call(aggp2[0, :_N], aggp2[1, :_N], dinv, b_g2, m, W_f, b_f,
                    alpha11)
    return out

# --- scband reference (transcript-rebuilt; emitter-appended) ---
"""Pipeline reference for scband-mlpand-gcnfusion-32298154065950 (READ-ONLY COPY).

The authoritative reference and input builder live on the scoring server;
editing this copy changes nothing except your own understanding.
"""

import jax, jax.numpy as jnp
import numpy as np

N = 10000
E = 320000
IN = 128
HID = 128
OUT = 128


def gcn_conv(x, edge_index, W, b):
    n = x.shape[0]
    src = edge_index[0]
    dst = edge_index[1]
    loop = jnp.arange(n, dtype=src.dtype)
    src = jnp.concatenate([src, loop])
    dst = jnp.concatenate([dst, loop])
    deg = jax.ops.segment_sum(jnp.ones_like(dst, dtype=x.dtype), dst, num_segments=n)
    dinv = jnp.where(deg > 0, 1.0 / jnp.sqrt(deg), 0.0)
    norm = dinv[src] * dinv[dst]
    xw = x @ W
    msg = xw[src] * norm[:, None]
    out = jax.ops.segment_sum(msg, dst, num_segments=n)
    return out + b


def setup_inputs(seed: int = 0) -> dict:
    key = jax.random.key(seed)
    ks = jax.random.split(key, 16)

    def lin_init(kw, kb, fan_in, fan_out):
        bound = 1.0 / np.sqrt(fan_in)
        W = jax.random.uniform(kw, (fan_in, fan_out), minval=-bound, maxval=bound, dtype=jnp.float32)
        b = jax.random.uniform(kb, (fan_out,), minval=-bound, maxval=bound, dtype=jnp.float32)
        return W, b

    x = jax.random.normal(ks[0], (N, IN), dtype=jnp.float32)
    edge_index = jax.random.randint(ks[1], (2, E), 0, N, dtype=jnp.int32)
    W_g1, b_g1 = lin_init(ks[2], ks[3], IN, HID)
    W_g2, b_g2 = lin_init(ks[4], ks[5], HID, HID)
    W_m1, b_m1 = lin_init(ks[6], ks[7], IN, HID)
    W_m2, b_m2 = lin_init(ks[8], ks[9], HID, HID)
    W_f, b_f = lin_init(ks[10], ks[11], 2 * HID, OUT)
    alpha = jnp.asarray(0.5, dtype=jnp.float32)
    return {
        "x": x, "edge_index": edge_index,
        "W_g1": W_g1, "b_g1": b_g1, "W_g2": W_g2, "b_g2": b_g2,
        "W_m1": W_m1, "b_m1": b_m1, "W_m2": W_m2, "b_m2": b_m2,
        "W_f": W_f, "b_f": b_f, "alpha": alpha,
    }


def reference(x, edge_index, W_g1, b_g1, W_g2, b_g2, W_m1, b_m1, W_m2, b_m2, W_f, b_f, alpha):
    # GCN branch (2 layers, relu between)
    g = gcn_conv(x, edge_index, W_g1, b_g1)
    g = jax.nn.relu(g)
    g = gcn_conv(g, edge_index, W_g2, b_g2)
    # MLP branch (2 layers, relu between)
    m = jax.nn.relu(x @ W_m1 + b_m1)
    m = m @ W_m2 + b_m2
    # concat_alpha fusion
    a = jnp.clip(alpha, 0.0, 1.0)
    beta = 1.0 - a
    combined = jnp.concatenate([a * g, beta * m], axis=1)
    out = combined @ W_f + b_f
    return out

if __name__ == "__main__":
    import jax
    _d = setup_inputs()
    print(jax.jit(kernel)(*tuple(_d.values())))

</pallas_src>

<mosaic_0001>
#map = affine_map<(d0, d1) -> (0)>
#map1 = affine_map<(d0, d1) -> (0, 0)>
module attributes {stable_mosaic.version = 14 : i64} {
  func.func @k(%arg0: i32, %arg1: i32, %arg2: memref<320000xi32, #tpu.memory_space<hbm>>, %arg3: memref<128xf32, #tpu.memory_space<hbm>>, %arg4: memref<10240xf32, #tpu.memory_space<hbm>>, %arg5: memref<2x10240xf32, #tpu.memory_space<hbm>>, %arg6: memref<128xi32, #tpu.memory_space<vmem>>, %arg7: memref<16xi32, #tpu.memory_space<vmem>>, %arg8: memref<128xf32, #tpu.memory_space<vmem>>, %arg9: memref<10240xf32, #tpu.memory_space<vmem_shared>>) attributes {dimension_semantics = [#tpu.dimension_semantics<core_parallel>, #tpu.dimension_semantics<subcore_parallel>], iteration_bounds = array<i64: 2, 16>, scalar_prefetch = 0 : i64, scratch_operands = 4 : i64, tpu.core_type = #tpu.core_type<sc_vector_subcore>, window_params = [{transform_indices = #map}, {transform_indices = #map}, {transform_indices = #map}, {transform_indices = #map1}]} {
    %mul3A = arith.constant 2 : i32
    %mul3A_0 = arith.muli %arg1, %mul3A : i32
    %add3A = arith.addi %mul3A_0, %arg0 : i32
    "tpu.region"() ({
      %run_scoped3A = tpu.sem_alloc : memref<!tpu.dma_semaphore, #tpu.memory_space<semaphore_mem>>
      tpu.enqueue_dma source(%arg3 : memref<128xf32, #tpu.memory_space<hbm>>) target(%arg8 : memref<128xf32, #tpu.memory_space<vmem>>) target_semaphore(%run_scoped3A : memref<!tpu.dma_semaphore, #tpu.memory_space<semaphore_mem>>)
      tpu.wait_dma2 semaphore(%run_scoped3A : memref<!tpu.dma_semaphore, #tpu.memory_space<semaphore_mem>>) src(%arg3 : memref<128xf32, #tpu.memory_space<hbm>>) dst(%arg8 : memref<128xf32, #tpu.memory_space<vmem>>)
      tpu.yield
    }) : () -> ()
    %mul3A_1 = arith.constant 640 : i32
    %mul3A_2 = arith.muli %arg1, %mul3A_1 : i32
    %mul3A_3 = arith.constant 640 : i32
    %mul3A_4 = arith.muli %arg1, %mul3A_3 : i32
    "tpu.region"() ({
      %run_scoped3A = tpu.sem_alloc : memref<!tpu.dma_semaphore, #tpu.memory_space<semaphore_mem>>
      %dma_start3A = tpu.memref_slice %arg9[%mul3A_4] : memref<10240xf32, #tpu.memory_space<vmem_shared>> -> memref<640xf32, #tpu.memory_space<vmem_shared>>
      %dma_start3A_18 = tpu.memref_slice %arg4[%mul3A_2] : memref<10240xf32, #tpu.memory_space<hbm>> -> memref<640xf32, #tpu.memory_space<hbm>>
      tpu.enqueue_dma source(%dma_start3A_18 : memref<640xf32, #tpu.memory_space<hbm>>) target(%dma_start3A : memref<640xf32, #tpu.memory_space<vmem_shared>>) target_semaphore(%run_scoped3A : memref<!tpu.dma_semaphore, #tpu.memory_space<semaphore_mem>>)
      %dma_wait3A = tpu.memref_slice %arg9[%mul3A_4] : memref<10240xf32, #tpu.memory_space<vmem_shared>> -> memref<640xf32, #tpu.memory_space<vmem_shared>>
      %dma_wait3A_19 = tpu.memref_slice %arg4[%mul3A_2] : memref<10240xf32, #tpu.memory_space<hbm>> -> memref<640xf32, #tpu.memory_space<hbm>>
      tpu.wait_dma2 semaphore(%run_scoped3A : memref<!tpu.dma_semaphore, #tpu.memory_space<semaphore_mem>>) src(%dma_wait3A_19 : memref<640xf32, #tpu.memory_space<hbm>>) dst(%dma_wait3A : memref<640xf32, #tpu.memory_space<vmem_shared>>)
      tpu.yield
    }) : () -> ()
    %barrier3A = arith.constant 0 : index
    tpu.barrier barrier_id(%barrier3A)
    %mul3A_5 = arith.constant 10000 : i32
    %mul3A_6 = arith.muli %add3A, %mul3A_5 : i32
    %scan3A = arith.constant 0 : i32
    %scan3A_7 = arith.constant 78 : i32
    %scan3A_8 = arith.addi %scan3A, %scan3A_7 : i32
    %scan3A_9 = arith.constant 1 : i32
    scf.for %scan3A_18 = %scan3A to %scan3A_8 step %scan3A_9  : i32 {
      %mul3A_19 = arith.constant 1 : i32
      %mul3A_20 = arith.muli %scan3A_18, %mul3A_19 : i32
      %add3A_21 = arith.constant 0 : i32
      %add3A_22 = arith.addi %add3A_21, %mul3A_20 : i32
      %mul3A_23 = arith.constant 128 : i32
      %mul3A_24 = arith.muli %add3A_22, %mul3A_23 : i32
      %add3A_25 = arith.addi %mul3A_6, %mul3A_24 : i32
      "tpu.region"() ({
        %run_scoped3A = tpu.sem_alloc : memref<!tpu.dma_semaphore, #tpu.memory_space<semaphore_mem>>
        %dma_start3A = tpu.memref_slice %arg2[%add3A_25] : memref<320000xi32, #tpu.memory_space<hbm>> -> memref<128xi32, #tpu.memory_space<hbm>>
        %dma_start3A_26 = tpu.memref_slice %arg2[%add3A_25] : memref<320000xi32, #tpu.memory_space<hbm>> -> memref<128xi32, #tpu.memory_space<hbm>>
        tpu.enqueue_dma source(%dma_start3A_26 : memref<128xi32, #tpu.memory_space<hbm>>) target(%arg6 : memref<128xi32, #tpu.memory_space<vmem>>) target_semaphore(%run_scoped3A : memref<!tpu.dma_semaphore, #tpu.memory_space<semaphore_mem>>)
        %dma_wait3A = tpu.memref_slice %arg2[%add3A_25] : memref<320000xi32, #tpu.memory_space<hbm>> -> memref<128xi32, #tpu.memory_space<hbm>>
        %dma_wait3A_27 = tpu.memref_slice %arg2[%add3A_25] : memref<320000xi32, #tpu.memory_space<hbm>> -> memref<128xi32, #tpu.memory_space<hbm>>
        tpu.wait_dma2 semaphore(%run_scoped3A : memref<!tpu.dma_semaphore, #tpu.memory_space<semaphore_mem>>) src(%dma_wait3A_27 : memref<128xi32, #tpu.memory_space<hbm>>) dst(%arg6 : memref<128xi32, #tpu.memory_space<vmem>>)
        tpu.yield
      }) : () -> ()
      "tpu.region"() ({
        %run_scoped3A = tpu.sem_alloc : memref<!tpu.dma_semaphore, #tpu.memory_space<semaphore_mem>>
        %dma_start3A = arith.constant 0 : i32
        %dma_start3A_26 = tpu.memref_slice %arg9[%dma_start3A] : memref<10240xf32, #tpu.memory_space<vmem_shared>> -> memref<10240xf32, #tpu.memory_space<vmem_shared>>
        tpu.enqueue_indirect_dma source(%arg8 : memref<128xf32, #tpu.memory_space<vmem>>) target(%dma_start3A_26 : memref<10240xf32, #tpu.memory_space<vmem_shared>>) offsets(%arg6 : memref<128xi32, #tpu.memory_space<vmem>>) semaphore(%run_scoped3A : memref<!tpu.dma_semaphore, #tpu.memory_space<semaphore_mem>>) {add = true}
        %dma_wait3A = arith.constant 0 : i32
        %dma_wait3A_27 = tpu.memref_slice %arg9[%dma_wait3A] : memref<10240xf32, #tpu.memory_space<vmem_shared>> -> memref<10240xf32, #tpu.memory_space<vmem_shared>>
        tpu.wait_indirect_dma semaphore(%run_scoped3A : memref<!tpu.dma_semaphore, #tpu.memory_space<semaphore_mem>>) src(%arg8 : memref<128xf32, #tpu.memory_space<vmem>>) dst(%dma_wait3A_27 : memref<10240xf32, #tpu.memory_space<vmem_shared>>)
        tpu.yield
      }) : () -> ()
    }
    %scan3A_10 = arith.constant 78 : i32
    %add3A_11 = arith.constant 9984 : i32
    %add3A_12 = arith.addi %mul3A_6, %add3A_11 : i32
    "tpu.region"() ({
      %run_scoped3A = tpu.sem_alloc : memref<!tpu.dma_semaphore, #tpu.memory_space<semaphore_mem>>
      %dma_start3A = tpu.memref_slice %arg2[%add3A_12] : memref<320000xi32, #tpu.memory_space<hbm>> -> memref<16xi32, #tpu.memory_space<hbm>>
      %dma_start3A_18 = tpu.memref_slice %arg2[%add3A_12] : memref<320000xi32, #tpu.memory_space<hbm>> -> memref<16xi32, #tpu.memory_space<hbm>>
      tpu.enqueue_dma source(%dma_start3A_18 : memref<16xi32, #tpu.memory_space<hbm>>) target(%arg7 : memref<16xi32, #tpu.memory_space<vmem>>) target_semaphore(%run_scoped3A : memref<!tpu.dma_semaphore, #tpu.memory_space<semaphore_mem>>)
      %dma_wait3A = tpu.memref_slice %arg2[%add3A_12] : memref<320000xi32, #tpu.memory_space<hbm>> -> memref<16xi32, #tpu.memory_space<hbm>>
      %dma_wait3A_19 = tpu.memref_slice %arg2[%add3A_12] : memref<320000xi32, #tpu.memory_space<hbm>> -> memref<16xi32, #tpu.memory_space<hbm>>
      tpu.wait_dma2 semaphore(%run_scoped3A : memref<!tpu.dma_semaphore, #tpu.memory_space<semaphore_mem>>) src(%dma_wait3A_19 : memref<16xi32, #tpu.memory_space<hbm>>) dst(%arg7 : memref<16xi32, #tpu.memory_space<vmem>>)
      tpu.yield
    }) : () -> ()
    "tpu.region"() ({
      %run_scoped3A = tpu.sem_alloc : memref<!tpu.dma_semaphore, #tpu.memory_space<semaphore_mem>>
      %dma_start3A = arith.constant 0 : i32
      %dma_start3A_18 = tpu.memref_slice %arg8[%dma_start3A] : memref<128xf32, #tpu.memory_space<vmem>> -> memref<16xf32, #tpu.memory_space<vmem>>
      %dma_start3A_19 = arith.constant 0 : i32
      %dma_start3A_20 = tpu.memref_slice %arg9[%dma_start3A_19] : memref<10240xf32, #tpu.memory_space<vmem_shared>> -> memref<10240xf32, #tpu.memory_space<vmem_shared>>
      tpu.enqueue_indirect_dma source(%dma_start3A_18 : memref<16xf32, #tpu.memory_space<vmem>>) target(%dma_start3A_20 : memref<10240xf32, #tpu.memory_space<vmem_shared>>) offsets(%arg7 : memref<16xi32, #tpu.memory_space<vmem>>) semaphore(%run_scoped3A : memref<!tpu.dma_semaphore, #tpu.memory_space<semaphore_mem>>) {add = true}
      %dma_wait3A = arith.constant 0 : i32
      %dma_wait3A_21 = tpu.memref_slice %arg8[%dma_wait3A] : memref<128xf32, #tpu.memory_space<vmem>> -> memref<16xf32, #tpu.memory_space<vmem>>
      %dma_wait3A_22 = arith.constant 0 : i32
      %dma_wait3A_23 = tpu.memref_slice %arg9[%dma_wait3A_22] : memref<10240xf32, #tpu.memory_space<vmem_shared>> -> memref<10240xf32, #tpu.memory_space<vmem_shared>>
      tpu.wait_indirect_dma semaphore(%run_scoped3A : memref<!tpu.dma_semaphore, #tpu.memory_space<semaphore_mem>>) src(%dma_wait3A_21 : memref<16xf32, #tpu.memory_space<vmem>>) dst(%dma_wait3A_23 : memref<10240xf32, #tpu.memory_space<vmem_shared>>)
      tpu.yield
    }) : () -> ()
    %barrier3A_13 = arith.constant 0 : index
    tpu.barrier barrier_id(%barrier3A_13)
    %mul3A_14 = arith.constant 640 : i32
    %mul3A_15 = arith.muli %arg1, %mul3A_14 : i32
    %mul3A_16 = arith.constant 640 : i32
    %mul3A_17 = arith.muli %arg1, %mul3A_16 : i32
    "tpu.region"() ({
      %run_scoped3A = tpu.sem_alloc : memref<!tpu.dma_semaphore, #tpu.memory_space<semaphore_mem>>
      %dma_start3A = tpu.memref_slice %arg5[%arg0, %mul3A_17] : memref<2x10240xf32, #tpu.memory_space<hbm>> -> memref<1x640xf32, #tpu.memory_space<hbm>>
      %dma_start3A_18 = tpu.memref_squeeze %dma_start3A : memref<1x640xf32, #tpu.memory_space<hbm>> -> memref<640xf32, #tpu.memory_space<hbm>>
      %dma_start3A_19 = tpu.memref_slice %arg9[%mul3A_15] : memref<10240xf32, #tpu.memory_space<vmem_shared>> -> memref<640xf32, #tpu.memory_space<vmem_shared>>
      tpu.enqueue_dma source(%dma_start3A_19 : memref<640xf32, #tpu.memory_space<vmem_shared>>) target(%dma_start3A_18 : memref<640xf32, #tpu.memory_space<hbm>>) target_semaphore(%run_scoped3A : memref<!tpu.dma_semaphore, #tpu.memory_space<semaphore_mem>>)
      %dma_wait3A = tpu.memref_slice %arg5[%arg0, %mul3A_17] : memref<2x10240xf32, #tpu.memory_space<hbm>> -> memref<1x640xf32, #tpu.memory_space<hbm>>
      %dma_wait3A_20 = tpu.memref_squeeze %dma_wait3A : memref<1x640xf32, #tpu.memory_space<hbm>> -> memref<640xf32, #tpu.memory_space<hbm>>
      %dma_wait3A_21 = tpu.memref_slice %arg9[%mul3A_15] : memref<10240xf32, #tpu.memory_space<vmem_shared>> -> memref<640xf32, #tpu.memory_space<vmem_shared>>
      tpu.wait_dma2 semaphore(%run_scoped3A : memref<!tpu.dma_semaphore, #tpu.memory_space<semaphore_mem>>) src(%dma_wait3A_21 : memref<640xf32, #tpu.memory_space<vmem_shared>>) dst(%dma_wait3A_20 : memref<640xf32, #tpu.memory_space<hbm>>)
      tpu.yield
    }) : () -> ()
    return
  }
}

#map = affine_map<(d0, d1) -> (0, 0)>
#map1 = affine_map<(d0, d1) -> (0)>
#map2 = affine_map<(d0, d1) -> (0, 0, 0)>
module attributes {stable_mosaic.version = 14 : i64} {
  func.func @k(%arg0: i32, %arg1: i32, %arg2: memref<10000x128xf32, #tpu.memory_space<hbm>>, %arg3: memref<320000xi32, #tpu.memory_space<hbm>>, %arg4: memref<320000xi32, #tpu.memory_space<hbm>>, %arg5: memref<10000x128xf32, #tpu.memory_space<hbm>>, %arg6: memref<2x10240x128xf32, #tpu.memory_space<hbm>>, %arg7: memref<128xi32, #tpu.memory_space<vmem>>, %arg8: memref<128xi32, #tpu.memory_space<vmem>>, %arg9: memref<16xi32, #tpu.memory_space<vmem>>, %arg10: memref<16xi32, #tpu.memory_space<vmem>>, %arg11: memref<128x128xf32, #tpu.memory_space<vmem>>, %arg12: memref<10240x128xf32, #tpu.memory_space<vmem_shared>>, %arg13: memref<!tpu.dma_semaphore, #tpu.memory_space<semaphore_mem>>) attributes {dimension_semantics = [#tpu.dimension_semantics<core_parallel>, #tpu.dimension_semantics<subcore_parallel>], iteration_bounds = array<i64: 2, 16>, scalar_prefetch = 0 : i64, scratch_operands = 7 : i64, tpu.core_type = #tpu.core_type<sc_vector_subcore>, window_params = [{transform_indices = #map}, {transform_indices = #map1}, {transform_indices = #map1}, {transform_indices = #map}, {transform_indices = #map2}]} {
    %mul3A = arith.constant 2 : i32
    %mul3A_0 = arith.muli %arg1, %mul3A : i32
    %add3A = arith.addi %mul3A_0, %arg0 : i32
    %mul3A_1 = arith.constant 640 : i32
    %mul3A_2 = arith.muli %arg1, %mul3A_1 : i32
    %eq3A = arith.constant 0 : i32
    %eq3A_3 = arith.cmpi eq, %arg0, %eq3A : i32
    %convert_element_type3A = arith.extui %eq3A_3 : i1 to i32
    %cond3A = arith.constant 0 : i32
    %cond3A_4 = arith.cmpi ne, %convert_element_type3A, %cond3A : i32
    scf.if %cond3A_4 {
      %lt3A = arith.constant 15 : i32
      %lt3A_28 = arith.cmpi slt, %arg1, %lt3A : i32
      %convert_element_type3A_29 = arith.extui %lt3A_28 : i1 to i32
      %cond3A_30 = arith.constant 0 : i32
      %cond3A_31 = arith.cmpi ne, %convert_element_type3A_29, %cond3A_30 : i32
      scf.if %cond3A_31 {
        "tpu.region"() ({
          %run_scoped3A = tpu.sem_alloc : memref<!tpu.dma_semaphore, #tpu.memory_space<semaphore_mem>>
          %dma_start3A_37 = arith.constant 0 : i32
          %dma_start3A_38 = tpu.memref_slice %arg12[%mul3A_2, %dma_start3A_37] : memref<10240x128xf32, #tpu.memory_space<vmem_shared>> -> memref<640x128xf32, #tpu.memory_space<vmem_shared>>
          %dma_start3A_39 = arith.constant 0 : i32
          %dma_start3A_40 = tpu.memref_slice %arg2[%mul3A_2, %dma_start3A_39] : memref<10000x128xf32, #tpu.memory_space<hbm>> -> memref<640x128xf32, #tpu.memory_space<hbm>>
          tpu.enqueue_dma source(%dma_start3A_40 : memref<640x128xf32, #tpu.memory_space<hbm>>) target(%dma_start3A_38 : memref<640x128xf32, #tpu.memory_space<vmem_shared>>) target_semaphore(%run_scoped3A : memref<!tpu.dma_semaphore, #tpu.memory_space<semaphore_mem>>)
          %dma_wait3A_41 = arith.constant 0 : i32
          %dma_wait3A_42 = tpu.memref_slice %arg12[%mul3A_2, %dma_wait3A_41] : memref<10240x128xf32, #tpu.memory_space<vmem_shared>> -> memref<640x128xf32, #tpu.memory_space<vmem_shared>>
          %dma_wait3A_43 = arith.constant 0 : i32
          %dma_wait3A_44 = tpu.memref_slice %arg2[%mul3A_2, %dma_wait3A_43] : memref<10000x128xf32, #tpu.memory_space<hbm>> -> memref<640x128xf32, #tpu.memory_space<hbm>>
          tpu.wait_dma2 semaphore(%run_scoped3A : memref<!tpu.dma_semaphore, #tpu.memory_space<semaphore_mem>>) src(%dma_wait3A_44 : memref<640x128xf32, #tpu.memory_space<hbm>>) dst(%dma_wait3A_42 : memref<640x128xf32, #tpu.memory_space<vmem_shared>>)
          tpu.yield
        }) : () -> ()
      } else {
      }
      %eq3A_32 = arith.constant 15 : i32
      %eq3A_33 = arith.cmpi eq, %arg1, %eq3A_32 : i32
      %convert_element_type3A_34 = arith.extui %eq3A_33 : i1 to i32
      %cond3A_35 = arith.constant 0 : i32
      %cond3A_36 = arith.cmpi ne, %convert_element_type3A_34, %cond3A_35 : i32
      scf.if %cond3A_36 {
        "tpu.region"() ({
          %run_scoped3A = tpu.sem_alloc : memref<!tpu.dma_semaphore, #tpu.memory_space<semaphore_mem>>
          %dma_start3A_37 = arith.constant 0 : i32
          %dma_start3A_38 = tpu.memref_slice %arg12[%mul3A_2, %dma_start3A_37] : memref<10240x128xf32, #tpu.memory_space<vmem_shared>> -> memref<400x128xf32, #tpu.memory_space<vmem_shared>>
          %dma_start3A_39 = arith.constant 0 : i32
          %dma_start3A_40 = tpu.memref_slice %arg2[%mul3A_2, %dma_start3A_39] : memref<10000x128xf32, #tpu.memory_space<hbm>> -> memref<400x128xf32, #tpu.memory_space<hbm>>
          tpu.enqueue_dma source(%dma_start3A_40 : memref<400x128xf32, #tpu.memory_space<hbm>>) target(%dma_start3A_38 : memref<400x128xf32, #tpu.memory_space<vmem_shared>>) target_semaphore(%run_scoped3A : memref<!tpu.dma_semaphore, #tpu.memory_space<semaphore_mem>>)
          %dma_wait3A_41 = arith.constant 0 : i32
          %dma_wait3A_42 = tpu.memref_slice %arg12[%mul3A_2, %dma_wait3A_41] : memref<10240x128xf32, #tpu.memory_space<vmem_shared>> -> memref<400x128xf32, #tpu.memory_space<vmem_shared>>
          %dma_wait3A_43 = arith.constant 0 : i32
          %dma_wait3A_44 = tpu.memref_slice %arg2[%mul3A_2, %dma_wait3A_43] : memref<10000x128xf32, #tpu.memory_space<hbm>> -> memref<400x128xf32, #tpu.memory_space<hbm>>
          tpu.wait_dma2 semaphore(%run_scoped3A : memref<!tpu.dma_semaphore, #tpu.memory_space<semaphore_mem>>) src(%dma_wait3A_44 : memref<400x128xf32, #tpu.memory_space<hbm>>) dst(%dma_wait3A_42 : memref<400x128xf32, #tpu.memory_space<vmem_shared>>)
          tpu.yield
        }) : () -> ()
      } else {
      }
    } else {
    }
    %ne3A = arith.constant 0 : i32
    %ne3A_5 = arith.cmpi ne, %arg0, %ne3A : i32
    %convert_element_type3A_6 = arith.extui %ne3A_5 : i1 to i32
    %cond3A_7 = arith.constant 0 : i32
    %cond3A_8 = arith.cmpi ne, %convert_element_type3A_6, %cond3A_7 : i32
    scf.if %cond3A_8 {
      %lt3A = arith.constant 15 : i32
      %lt3A_28 = arith.cmpi slt, %arg1, %lt3A : i32
      %convert_element_type3A_29 = arith.extui %lt3A_28 : i1 to i32
      %cond3A_30 = arith.constant 0 : i32
      %cond3A_31 = arith.cmpi ne, %convert_element_type3A_29, %cond3A_30 : i32
      scf.if %cond3A_31 {
        "tpu.region"() ({
          %run_scoped3A = tpu.sem_alloc : memref<!tpu.dma_semaphore, #tpu.memory_space<semaphore_mem>>
          %dma_start3A_37 = arith.constant 0 : i32
          %dma_start3A_38 = tpu.memref_slice %arg12[%mul3A_2, %dma_start3A_37] : memref<10240x128xf32, #tpu.memory_space<vmem_shared>> -> memref<640x128xf32, #tpu.memory_space<vmem_shared>>
          %dma_start3A_39 = arith.constant 0 : i32
          %dma_start3A_40 = tpu.memref_slice %arg5[%mul3A_2, %dma_start3A_39] : memref<10000x128xf32, #tpu.memory_space<hbm>> -> memref<640x128xf32, #tpu.memory_space<hbm>>
          tpu.enqueue_dma source(%dma_start3A_40 : memref<640x128xf32, #tpu.memory_space<hbm>>) target(%dma_start3A_38 : memref<640x128xf32, #tpu.memory_space<vmem_shared>>) target_semaphore(%run_scoped3A : memref<!tpu.dma_semaphore, #tpu.memory_space<semaphore_mem>>)
          %dma_wait3A_41 = arith.constant 0 : i32
          %dma_wait3A_42 = tpu.memref_slice %arg12[%mul3A_2, %dma_wait3A_41] : memref<10240x128xf32, #tpu.memory_space<vmem_shared>> -> memref<640x128xf32, #tpu.memory_space<vmem_shared>>
          %dma_wait3A_43 = arith.constant 0 : i32
          %dma_wait3A_44 = tpu.memref_slice %arg5[%mul3A_2, %dma_wait3A_43] : memref<10000x128xf32, #tpu.memory_space<hbm>> -> memref<640x128xf32, #tpu.memory_space<hbm>>
          tpu.wait_dma2 semaphore(%run_scoped3A : memref<!tpu.dma_semaphore, #tpu.memory_space<semaphore_mem>>) src(%dma_wait3A_44 : memref<640x128xf32, #tpu.memory_space<hbm>>) dst(%dma_wait3A_42 : memref<640x128xf32, #tpu.memory_space<vmem_shared>>)
          tpu.yield
        }) : () -> ()
      } else {
      }
      %eq3A_32 = arith.constant 15 : i32
      %eq3A_33 = arith.cmpi eq, %arg1, %eq3A_32 : i32
      %convert_element_type3A_34 = arith.extui %eq3A_33 : i1 to i32
      %cond3A_35 = arith.constant 0 : i32
      %cond3A_36 = arith.cmpi ne, %convert_element_type3A_34, %cond3A_35 : i32
      scf.if %cond3A_36 {
        "tpu.region"() ({
          %run_scoped3A = tpu.sem_alloc : memref<!tpu.dma_semaphore, #tpu.memory_space<semaphore_mem>>
          %dma_start3A_37 = arith.constant 0 : i32
          %dma_start3A_38 = tpu.memref_slice %arg12[%mul3A_2, %dma_start3A_37] : memref<10240x128xf32, #tpu.memory_space<vmem_shared>> -> memref<400x128xf32, #tpu.memory_space<vmem_shared>>
          %dma_start3A_39 = arith.constant 0 : i32
          %dma_start3A_40 = tpu.memref_slice %arg5[%mul3A_2, %dma_start3A_39] : memref<10000x128xf32, #tpu.memory_space<hbm>> -> memref<400x128xf32, #tpu.memory_space<hbm>>
          tpu.enqueue_dma source(%dma_start3A_40 : memref<400x128xf32, #tpu.memory_space<hbm>>) target(%dma_start3A_38 : memref<400x128xf32, #tpu.memory_space<vmem_shared>>) target_semaphore(%run_scoped3A : memref<!tpu.dma_semaphore, #tpu.memory_space<semaphore_mem>>)
          %dma_wait3A_41 = arith.constant 0 : i32
          %dma_wait3A_42 = tpu.memref_slice %arg12[%mul3A_2, %dma_wait3A_41] : memref<10240x128xf32, #tpu.memory_space<vmem_shared>> -> memref<400x128xf32, #tpu.memory_space<vmem_shared>>
          %dma_wait3A_43 = arith.constant 0 : i32
          %dma_wait3A_44 = tpu.memref_slice %arg5[%mul3A_2, %dma_wait3A_43] : memref<10000x128xf32, #tpu.memory_space<hbm>> -> memref<400x128xf32, #tpu.memory_space<hbm>>
          tpu.wait_dma2 semaphore(%run_scoped3A : memref<!tpu.dma_semaphore, #tpu.memory_space<semaphore_mem>>) src(%dma_wait3A_44 : memref<400x128xf32, #tpu.memory_space<hbm>>) dst(%dma_wait3A_42 : memref<400x128xf32, #tpu.memory_space<vmem_shared>>)
          tpu.yield
        }) : () -> ()
      } else {
      }
    } else {
    }
    %barrier3A = arith.constant 0 : index
    tpu.barrier barrier_id(%barrier3A)
    %mul3A_9 = arith.constant 10000 : i32
    %mul3A_10 = arith.muli %add3A, %mul3A_9 : i32
    %scan3A = arith.constant 0 : i32
    %scan3A_11 = arith.constant 78 : i32
    %scan3A_12 = arith.addi %scan3A, %scan3A_11 : i32
    %scan3A_13 = arith.constant 1 : i32
    scf.for %scan3A_28 = %scan3A to %scan3A_12 step %scan3A_13  : i32 {
      %mul3A_29 = arith.constant 1 : i32
      %mul3A_30 = arith.muli %scan3A_28, %mul3A_29 : i32
      %add3A_31 = arith.constant 0 : i32
      %add3A_32 = arith.addi %add3A_31, %mul3A_30 : i32
      %mul3A_33 = arith.constant 128 : i32
      %mul3A_34 = arith.muli %add3A_32, %mul3A_33 : i32
      %add3A_35 = arith.addi %mul3A_10, %mul3A_34 : i32
      "tpu.region"() ({
        %run_scoped3A = tpu.sem_alloc : memref<!tpu.dma_semaphore, #tpu.memory_space<semaphore_mem>>
        %dma_start3A_42 = tpu.memref_slice %arg3[%add3A_35] : memref<320000xi32, #tpu.memory_space<hbm>> -> memref<128xi32, #tpu.memory_space<hbm>>
        %dma_start3A_43 = tpu.memref_slice %arg3[%add3A_35] : memref<320000xi32, #tpu.memory_space<hbm>> -> memref<128xi32, #tpu.memory_space<hbm>>
        tpu.enqueue_dma source(%dma_start3A_43 : memref<128xi32, #tpu.memory_space<hbm>>) target(%arg7 : memref<128xi32, #tpu.memory_space<vmem>>) target_semaphore(%run_scoped3A : memref<!tpu.dma_semaphore, #tpu.memory_space<semaphore_mem>>)
        %dma_wait3A_44 = tpu.memref_slice %arg3[%add3A_35] : memref<320000xi32, #tpu.memory_space<hbm>> -> memref<128xi32, #tpu.memory_space<hbm>>
        %dma_wait3A_45 = tpu.memref_slice %arg3[%add3A_35] : memref<320000xi32, #tpu.memory_space<hbm>> -> memref<128xi32, #tpu.memory_space<hbm>>
        tpu.wait_dma2 semaphore(%run_scoped3A : memref<!tpu.dma_semaphore, #tpu.memory_space<semaphore_mem>>) src(%dma_wait3A_45 : memref<128xi32, #tpu.memory_space<hbm>>) dst(%arg7 : memref<128xi32, #tpu.memory_space<vmem>>)
        tpu.yield
      }) : () -> ()
      "tpu.region"() ({
        %run_scoped3A = tpu.sem_alloc : memref<!tpu.dma_semaphore, #tpu.memory_space<semaphore_mem>>
        %dma_start3A_42 = tpu.memref_slice %arg4[%add3A_35] : memref<320000xi32, #tpu.memory_space<hbm>> -> memref<128xi32, #tpu.memory_space<hbm>>
        %dma_start3A_43 = tpu.memref_slice %arg4[%add3A_35] : memref<320000xi32, #tpu.memory_space<hbm>> -> memref<128xi32, #tpu.memory_space<hbm>>
        tpu.enqueue_dma source(%dma_start3A_43 : memref<128xi32, #tpu.memory_space<hbm>>) target(%arg8 : memref<128xi32, #tpu.memory_space<vmem>>) target_semaphore(%run_scoped3A : memref<!tpu.dma_semaphore, #tpu.memory_space<semaphore_mem>>)
        %dma_wait3A_44 = tpu.memref_slice %arg4[%add3A_35] : memref<320000xi32, #tpu.memory_space<hbm>> -> memref<128xi32, #tpu.memory_space<hbm>>
        %dma_wait3A_45 = tpu.memref_slice %arg4[%add3A_35] : memref<320000xi32, #tpu.memory_space<hbm>> -> memref<128xi32, #tpu.memory_space<hbm>>
        tpu.wait_dma2 semaphore(%run_scoped3A : memref<!tpu.dma_semaphore, #tpu.memory_space<semaphore_mem>>) src(%dma_wait3A_45 : memref<128xi32, #tpu.memory_space<hbm>>) dst(%arg8 : memref<128xi32, #tpu.memory_space<vmem>>)
        tpu.yield
      }) : () -> ()
      %dma_start3A_36 = arith.constant 0 : i32
      %dma_start3A_37 = arith.constant 0 : i32
      %dma_start3A_38 = tpu.memref_slice %arg2[%dma_start3A_36, %dma_start3A_37] : memref<10000x128xf32, #tpu.memory_space<hbm>> -> memref<10000x128xf32, #tpu.memory_space<hbm>>
      tpu.enqueue_indirect_dma source(%dma_start3A_38 : memref<10000x128xf32, #tpu.memory_space<hbm>>) target(%arg11 : memref<128x128xf32, #tpu.memory_space<vmem>>) offsets(%arg7 : memref<128xi32, #tpu.memory_space<vmem>>) semaphore(%arg13 : memref<!tpu.dma_semaphore, #tpu.memory_space<semaphore_mem>>)
      %dma_wait3A_39 = arith.constant 0 : i32
      %dma_wait3A_40 = arith.constant 0 : i32
      %dma_wait3A_41 = tpu.memref_slice %arg2[%dma_wait3A_39, %dma_wait3A_40] : memref<10000x128xf32, #tpu.memory_space<hbm>> -> memref<10000x128xf32, #tpu.memory_space<hbm>>
      tpu.wait_indirect_dma semaphore(%arg13 : memref<!tpu.dma_semaphore, #tpu.memory_space<semaphore_mem>>) src(%dma_wait3A_41 : memref<10000x128xf32, #tpu.memory_space<hbm>>) dst(%arg11 : memref<128x128xf32, #tpu.memory_space<vmem>>)
      "tpu.region"() ({
        %run_scoped3A = tpu.sem_alloc : memref<!tpu.dma_semaphore, #tpu.memory_space<semaphore_mem>>
        %dma_start3A_42 = arith.constant 0 : i32
        %dma_start3A_43 = arith.constant 0 : i32
        %dma_start3A_44 = tpu.memref_slice %arg12[%dma_start3A_42, %dma_start3A_43] : memref<10240x128xf32, #tpu.memory_space<vmem_shared>> -> memref<10240x128xf32, #tpu.memory_space<vmem_shared>>
        tpu.enqueue_indirect_dma source(%arg11 : memref<128x128xf32, #tpu.memory_space<vmem>>) target(%dma_start3A_44 : memref<10240x128xf32, #tpu.memory_space<vmem_shared>>) offsets(%arg8 : memref<128xi32, #tpu.memory_space<vmem>>) semaphore(%run_scoped3A : memref<!tpu.dma_semaphore, #tpu.memory_space<semaphore_mem>>) {add = true}
        %dma_wait3A_45 = arith.constant 0 : i32
        %dma_wait3A_46 = arith.constant 0 : i32
        %dma_wait3A_47 = tpu.memref_slice %arg12[%dma_wait3A_45, %dma_wait3A_46] : memref<10240x128xf32, #tpu.memory_space<vmem_shared>> -> memref<10240x128xf32, #tpu.memory_space<vmem_shared>>
        tpu.wait_indirect_dma semaphore(%run_scoped3A : memref<!tpu.dma_semaphore, #tpu.memory_space<semaphore_mem>>) src(%arg11 : memref<128x128xf32, #tpu.memory_space<vmem>>) dst(%dma_wait3A_47 : memref<10240x128xf32, #tpu.memory_space<vmem_shared>>)
        tpu.yield
      }) : () -> ()
    }
    %scan3A_14 = arith.constant 78 : i32
    %add3A_15 = arith.constant 9984 : i32
    %add3A_16 = arith.addi %mul3A_10, %add3A_15 : i32
    "tpu.region"() ({
      %run_scoped3A = tpu.sem_alloc : memref<!tpu.dma_semaphore, #tpu.memory_space<semaphore_mem>>
      %dma_start3A_28 = tpu.memref_slice %arg3[%add3A_16] : memref<320000xi32, #tpu.memory_space<hbm>> -> memref<16xi32, #tpu.memory_space<hbm>>
      %dma_start3A_29 = tpu.memref_slice %arg3[%add3A_16] : memref<320000xi32, #tpu.memory_space<hbm>> -> memref<16xi32, #tpu.memory_space<hbm>>
      tpu.enqueue_dma source(%dma_start3A_29 : memref<16xi32, #tpu.memory_space<hbm>>) target(%arg9 : memref<16xi32, #tpu.memory_space<vmem>>) target_semaphore(%run_scoped3A : memref<!tpu.dma_semaphore, #tpu.memory_space<semaphore_mem>>)
      %dma_wait3A_30 = tpu.memref_slice %arg3[%add3A_16] : memref<320000xi32, #tpu.memory_space<hbm>> -> memref<16xi32, #tpu.memory_space<hbm>>
      %dma_wait3A_31 = tpu.memref_slice %arg3[%add3A_16] : memref<320000xi32, #tpu.memory_space<hbm>> -> memref<16xi32, #tpu.memory_space<hbm>>
      tpu.wait_dma2 semaphore(%run_scoped3A : memref<!tpu.dma_semaphore, #tpu.memory_space<semaphore_mem>>) src(%dma_wait3A_31 : memref<16xi32, #tpu.memory_space<hbm>>) dst(%arg9 : memref<16xi32, #tpu.memory_space<vmem>>)
      tpu.yield
    }) : () -> ()
    "tpu.region"() ({
      %run_scoped3A = tpu.sem_alloc : memref<!tpu.dma_semaphore, #tpu.memory_space<semaphore_mem>>
      %dma_start3A_28 = tpu.memref_slice %arg4[%add3A_16] : memref<320000xi32, #tpu.memory_space<hbm>> -> memref<16xi32, #tpu.memory_space<hbm>>
      %dma_start3A_29 = tpu.memref_slice %arg4[%add3A_16] : memref<320000xi32, #tpu.memory_space<hbm>> -> memref<16xi32, #tpu.memory_space<hbm>>
      tpu.enqueue_dma source(%dma_start3A_29 : memref<16xi32, #tpu.memory_space<hbm>>) target(%arg10 : memref<16xi32, #tpu.memory_space<vmem>>) target_semaphore(%run_scoped3A : memref<!tpu.dma_semaphore, #tpu.memory_space<semaphore_mem>>)
      %dma_wait3A_30 = tpu.memref_slice %arg4[%add3A_16] : memref<320000xi32, #tpu.memory_space<hbm>> -> memref<16xi32, #tpu.memory_space<hbm>>
      %dma_wait3A_31 = tpu.memref_slice %arg4[%add3A_16] : memref<320000xi32, #tpu.memory_space<hbm>> -> memref<16xi32, #tpu.memory_space<hbm>>
      tpu.wait_dma2 semaphore(%run_scoped3A : memref<!tpu.dma_semaphore, #tpu.memory_space<semaphore_mem>>) src(%dma_wait3A_31 : memref<16xi32, #tpu.memory_space<hbm>>) dst(%arg10 : memref<16xi32, #tpu.memory_space<vmem>>)
      tpu.yield
    }) : () -> ()
    %dma_start3A = arith.constant 0 : i32
    %dma_start3A_17 = arith.constant 0 : i32
    %dma_start3A_18 = tpu.memref_slice %arg11[%dma_start3A, %dma_start3A_17] : memref<128x128xf32, #tpu.memory_space<vmem>> -> memref<16x128xf32, #tpu.memory_space<vmem>>
    %dma_start3A_19 = arith.constant 0 : i32
    %dma_start3A_20 = arith.constant 0 : i32
    %dma_start3A_21 = tpu.memref_slice %arg2[%dma_start3A_19, %dma_start3A_20] : memref<10000x128xf32, #tpu.memory_space<hbm>> -> memref<10000x128xf32, #tpu.memory_space<hbm>>
    tpu.enqueue_indirect_dma source(%dma_start3A_21 : memref<10000x128xf32, #tpu.memory_space<hbm>>) target(%dma_start3A_18 : memref<16x128xf32, #tpu.memory_space<vmem>>) offsets(%arg9 : memref<16xi32, #tpu.memory_space<vmem>>) semaphore(%arg13 : memref<!tpu.dma_semaphore, #tpu.memory_space<semaphore_mem>>)
    %dma_wait3A = arith.constant 0 : i32
    %dma_wait3A_22 = arith.constant 0 : i32
    %dma_wait3A_23 = tpu.memref_slice %arg11[%dma_wait3A, %dma_wait3A_22] : memref<128x128xf32, #tpu.memory_space<vmem>> -> memref<16x128xf32, #tpu.memory_space<vmem>>
    %dma_wait3A_24 = arith.constant 0 : i32
    %dma_wait3A_25 = arith.constant 0 : i32
    %dma_wait3A_26 = tpu.memref_slice %arg2[%dma_wait3A_24, %dma_wait3A_25] : memref<10000x128xf32, #tpu.memory_space<hbm>> -> memref<10000x128xf32, #tpu.memory_space<hbm>>
    tpu.wait_indirect_dma semaphore(%arg13 : memref<!tpu.dma_semaphore, #tpu.memory_space<semaphore_mem>>) src(%dma_wait3A_26 : memref<10000x128xf32, #tpu.memory_space<hbm>>) dst(%dma_wait3A_23 : memref<16x128xf32, #tpu.memory_space<vmem>>)
    "tpu.region"() ({
      %run_scoped3A = tpu.sem_alloc : memref<!tpu.dma_semaphore, #tpu.memory_space<semaphore_mem>>
      %dma_start3A_28 = arith.constant 0 : i32
      %dma_start3A_29 = arith.constant 0 : i32
      %dma_start3A_30 = tpu.memref_slice %arg11[%dma_start3A_28, %dma_start3A_29] : memref<128x128xf32, #tpu.memory_space<vmem>> -> memref<16x128xf32, #tpu.memory_space<vmem>>
      %dma_start3A_31 = arith.constant 0 : i32
      %dma_start3A_32 = arith.constant 0 : i32
      %dma_start3A_33 = tpu.memref_slice %arg12[%dma_start3A_31, %dma_start3A_32] : memref<10240x128xf32, #tpu.memory_space<vmem_shared>> -> memref<10240x128xf32, #tpu.memory_space<vmem_shared>>
      tpu.enqueue_indirect_dma source(%dma_start3A_30 : memref<16x128xf32, #tpu.memory_space<vmem>>) target(%dma_start3A_33 : memref<10240x128xf32, #tpu.memory_space<vmem_shared>>) offsets(%arg10 : memref<16xi32, #tpu.memory_space<vmem>>) semaphore(%run_scoped3A : memref<!tpu.dma_semaphore, #tpu.memory_space<semaphore_mem>>) {add = true}
      %dma_wait3A_34 = arith.constant 0 : i32
      %dma_wait3A_35 = arith.constant 0 : i32
      %dma_wait3A_36 = tpu.memref_slice %arg11[%dma_wait3A_34, %dma_wait3A_35] : memref<128x128xf32, #tpu.memory_space<vmem>> -> memref<16x128xf32, #tpu.memory_space<vmem>>
      %dma_wait3A_37 = arith.constant 0 : i32
      %dma_wait3A_38 = arith.constant 0 : i32
      %dma_wait3A_39 = tpu.memref_slice %arg12[%dma_wait3A_37, %dma_wait3A_38] : memref<10240x128xf32, #tpu.memory_space<vmem_shared>> -> memref<10240x128xf32, #tpu.memory_space<vmem_shared>>
      tpu.wait_indirect_dma semaphore(%run_scoped3A : memref<!tpu.dma_semaphore, #tpu.memory_space<semaphore_mem>>) src(%dma_wait3A_36 : memref<16x128xf32, #tpu.memory_space<vmem>>) dst(%dma_wait3A_39 : memref<10240x128xf32, #tpu.memory_space<vmem_shared>>)
      tpu.yield
    }) : () -> ()
    %barrier3A_27 = arith.constant 0 : index
    tpu.barrier barrier_id(%barrier3A_27)
    "tpu.region"() ({
      %run_scoped3A = tpu.sem_alloc : memref<!tpu.dma_semaphore, #tpu.memory_space<semaphore_mem>>
      %dma_start3A_28 = arith.constant 0 : i32
      %dma_start3A_29 = tpu.memref_slice %arg6[%arg0, %mul3A_2, %dma_start3A_28] : memref<2x10240x128xf32, #tpu.memory_space<hbm>> -> memref<1x640x128xf32, #tpu.memory_space<hbm>>
      %dma_start3A_30 = tpu.memref_squeeze %dma_start3A_29 : memref<1x640x128xf32, #tpu.memory_space<hbm>> -> memref<640x128xf32, #tpu.memory_space<hbm>>
      %dma_start3A_31 = arith.constant 0 : i32
      %dma_start3A_32 = tpu.memref_slice %arg12[%mul3A_2, %dma_start3A_31] : memref<10240x128xf32, #tpu.memory_space<vmem_shared>> -> memref<640x128xf32, #tpu.memory_space<vmem_shared>>
      tpu.enqueue_dma source(%dma_start3A_32 : memref<640x128xf32, #tpu.memory_space<vmem_shared>>) target(%dma_start3A_30 : memref<640x128xf32, #tpu.memory_space<hbm>>) target_semaphore(%run_scoped3A : memref<!tpu.dma_semaphore, #tpu.memory_space<semaphore_mem>>)
      %dma_wait3A_33 = arith.constant 0 : i32
      %dma_wait3A_34 = tpu.memref_slice %arg6[%arg0, %mul3A_2, %dma_wait3A_33] : memref<2x10240x128xf32, #tpu.memory_space<hbm>> -> memref<1x640x128xf32, #tpu.memory_space<hbm>>
      %dma_wait3A_35 = tpu.memref_squeeze %dma_wait3A_34 : memref<1x640x128xf32, #tpu.memory_space<hbm>> -> memref<640x128xf32, #tpu.memory_space<hbm>>
      %dma_wait3A_36 = arith.constant 0 : i32
      %dma_wait3A_37 = tpu.memref_slice %arg12[%mul3A_2, %dma_wait3A_36] : memref<10240x128xf32, #tpu.memory_space<vmem_shared>> -> memref<640x128xf32, #tpu.memory_space<vmem_shared>>
      tpu.wait_dma2 semaphore(%run_scoped3A : memref<!tpu.dma_semaphore, #tpu.memory_space<semaphore_mem>>) src(%dma_wait3A_37 : memref<640x128xf32, #tpu.memory_space<vmem_shared>>) dst(%dma_wait3A_35 : memref<640x128xf32, #tpu.memory_space<hbm>>)
      tpu.yield
    }) : () -> ()
    return
  }
}

#map = affine_map<(d0, d1) -> (0, 0)>
#map1 = affine_map<(d0, d1) -> (0)>
#map2 = affine_map<(d0, d1) -> (0, 0, 0)>
module attributes {stable_mosaic.version = 14 : i64} {
  func.func @k(%arg0: i32, %arg1: i32, %arg2: memref<10000x128xf32, #tpu.memory_space<hbm>>, %arg3: memref<320000xi32, #tpu.memory_space<hbm>>, %arg4: memref<320000xi32, #tpu.memory_space<hbm>>, %arg5: memref<10000x128xf32, #tpu.memory_space<hbm>>, %arg6: memref<2x10240x128xf32, #tpu.memory_space<hbm>>, %arg7: memref<128xi32, #tpu.memory_space<vmem>>, %arg8: memref<128xi32, #tpu.memory_space<vmem>>, %arg9: memref<16xi32, #tpu.memory_space<vmem>>, %arg10: memref<16xi32, #tpu.memory_space<vmem>>, %arg11: memref<128x128xf32, #tpu.memory_space<vmem>>, %arg12: memref<10240x128xf32, #tpu.memory_space<vmem_shared>>, %arg13: memref<!tpu.dma_semaphore, #tpu.memory_space<semaphore_mem>>) attributes {dimension_semantics = [#tpu.dimension_semantics<core_parallel>, #tpu.dimension_semantics<subcore_parallel>], iteration_bounds = array<i64: 2, 16>, scalar_prefetch = 0 : i64, scratch_operands = 7 : i64, tpu.core_type = #tpu.core_type<sc_vector_subcore>, window_params = [{transform_indices = #map}, {transform_indices = #map1}, {transform_indices = #map1}, {transform_indices = #map}, {transform_indices = #map2}]} {
    %mul3A = arith.constant 2 : i32
    %mul3A_0 = arith.muli %arg1, %mul3A : i32
    %add3A = arith.addi %mul3A_0, %arg0 : i32
    %mul3A_1 = arith.constant 640 : i32
    %mul3A_2 = arith.muli %arg1, %mul3A_1 : i32
    %eq3A = arith.constant 0 : i32
    %eq3A_3 = arith.cmpi eq, %arg0, %eq3A : i32
    %convert_element_type3A = arith.extui %eq3A_3 : i1 to i32
    %cond3A = arith.constant 0 : i32
    %cond3A_4 = arith.cmpi ne, %convert_element_type3A, %cond3A : i32
    scf.if %cond3A_4 {
      %lt3A = arith.constant 15 : i32
      %lt3A_28 = arith.cmpi slt, %arg1, %lt3A : i32
      %convert_element_type3A_29 = arith.extui %lt3A_28 : i1 to i32
      %cond3A_30 = arith.constant 0 : i32
      %cond3A_31 = arith.cmpi ne, %convert_element_type3A_29, %cond3A_30 : i32
      scf.if %cond3A_31 {
        "tpu.region"() ({
          %run_scoped3A = tpu.sem_alloc : memref<!tpu.dma_semaphore, #tpu.memory_space<semaphore_mem>>
          %dma_start3A_37 = arith.constant 0 : i32
          %dma_start3A_38 = tpu.memref_slice %arg12[%mul3A_2, %dma_start3A_37] : memref<10240x128xf32, #tpu.memory_space<vmem_shared>> -> memref<640x128xf32, #tpu.memory_space<vmem_shared>>
          %dma_start3A_39 = arith.constant 0 : i32
          %dma_start3A_40 = tpu.memref_slice %arg2[%mul3A_2, %dma_start3A_39] : memref<10000x128xf32, #tpu.memory_space<hbm>> -> memref<640x128xf32, #tpu.memory_space<hbm>>
          tpu.enqueue_dma source(%dma_start3A_40 : memref<640x128xf32, #tpu.memory_space<hbm>>) target(%dma_start3A_38 : memref<640x128xf32, #tpu.memory_space<vmem_shared>>) target_semaphore(%run_scoped3A : memref<!tpu.dma_semaphore, #tpu.memory_space<semaphore_mem>>)
          %dma_wait3A_41 = arith.constant 0 : i32
          %dma_wait3A_42 = tpu.memref_slice %arg12[%mul3A_2, %dma_wait3A_41] : memref<10240x128xf32, #tpu.memory_space<vmem_shared>> -> memref<640x128xf32, #tpu.memory_space<vmem_shared>>
          %dma_wait3A_43 = arith.constant 0 : i32
          %dma_wait3A_44 = tpu.memref_slice %arg2[%mul3A_2, %dma_wait3A_43] : memref<10000x128xf32, #tpu.memory_space<hbm>> -> memref<640x128xf32, #tpu.memory_space<hbm>>
          tpu.wait_dma2 semaphore(%run_scoped3A : memref<!tpu.dma_semaphore, #tpu.memory_space<semaphore_mem>>) src(%dma_wait3A_44 : memref<640x128xf32, #tpu.memory_space<hbm>>) dst(%dma_wait3A_42 : memref<640x128xf32, #tpu.memory_space<vmem_shared>>)
          tpu.yield
        }) : () -> ()
      } else {
      }
      %eq3A_32 = arith.constant 15 : i32
      %eq3A_33 = arith.cmpi eq, %arg1, %eq3A_32 : i32
      %convert_element_type3A_34 = arith.extui %eq3A_33 : i1 to i32
      %cond3A_35 = arith.constant 0 : i32
      %cond3A_36 = arith.cmpi ne, %convert_element_type3A_34, %cond3A_35 : i32
      scf.if %cond3A_36 {
        "tpu.region"() ({
          %run_scoped3A = tpu.sem_alloc : memref<!tpu.dma_semaphore, #tpu.memory_space<semaphore_mem>>
          %dma_start3A_37 = arith.constant 0 : i32
          %dma_start3A_38 = tpu.memref_slice %arg12[%mul3A_2, %dma_start3A_37] : memref<10240x128xf32, #tpu.memory_space<vmem_shared>> -> memref<400x128xf32, #tpu.memory_space<vmem_shared>>
          %dma_start3A_39 = arith.constant 0 : i32
          %dma_start3A_40 = tpu.memref_slice %arg2[%mul3A_2, %dma_start3A_39] : memref<10000x128xf32, #tpu.memory_space<hbm>> -> memref<400x128xf32, #tpu.memory_space<hbm>>
          tpu.enqueue_dma source(%dma_start3A_40 : memref<400x128xf32, #tpu.memory_space<hbm>>) target(%dma_start3A_38 : memref<400x128xf32, #tpu.memory_space<vmem_shared>>) target_semaphore(%run_scoped3A : memref<!tpu.dma_semaphore, #tpu.memory_space<semaphore_mem>>)
          %dma_wait3A_41 = arith.constant 0 : i32
          %dma_wait3A_42 = tpu.memref_slice %arg12[%mul3A_2, %dma_wait3A_41] : memref<10240x128xf32, #tpu.memory_space<vmem_shared>> -> memref<400x128xf32, #tpu.memory_space<vmem_shared>>
          %dma_wait3A_43 = arith.constant 0 : i32
          %dma_wait3A_44 = tpu.memref_slice %arg2[%mul3A_2, %dma_wait3A_43] : memref<10000x128xf32, #tpu.memory_space<hbm>> -> memref<400x128xf32, #tpu.memory_space<hbm>>
          tpu.wait_dma2 semaphore(%run_scoped3A : memref<!tpu.dma_semaphore, #tpu.memory_space<semaphore_mem>>) src(%dma_wait3A_44 : memref<400x128xf32, #tpu.memory_space<hbm>>) dst(%dma_wait3A_42 : memref<400x128xf32, #tpu.memory_space<vmem_shared>>)
          tpu.yield
        }) : () -> ()
      } else {
      }
    } else {
    }
    %ne3A = arith.constant 0 : i32
    %ne3A_5 = arith.cmpi ne, %arg0, %ne3A : i32
    %convert_element_type3A_6 = arith.extui %ne3A_5 : i1 to i32
    %cond3A_7 = arith.constant 0 : i32
    %cond3A_8 = arith.cmpi ne, %convert_element_type3A_6, %cond3A_7 : i32
    scf.if %cond3A_8 {
      %lt3A = arith.constant 15 : i32
      %lt3A_28 = arith.cmpi slt, %arg1, %lt3A : i32
      %convert_element_type3A_29 = arith.extui %lt3A_28 : i1 to i32
      %cond3A_30 = arith.constant 0 : i32
      %cond3A_31 = arith.cmpi ne, %convert_element_type3A_29, %cond3A_30 : i32
      scf.if %cond3A_31 {
        "tpu.region"() ({
          %run_scoped3A = tpu.sem_alloc : memref<!tpu.dma_semaphore, #tpu.memory_space<semaphore_mem>>
          %dma_start3A_37 = arith.constant 0 : i32
          %dma_start3A_38 = tpu.memref_slice %arg12[%mul3A_2, %dma_start3A_37] : memref<10240x128xf32, #tpu.memory_space<vmem_shared>> -> memref<640x128xf32, #tpu.memory_space<vmem_shared>>
          %dma_start3A_39 = arith.constant 0 : i32
          %dma_start3A_40 = tpu.memref_slice %arg5[%mul3A_2, %dma_start3A_39] : memref<10000x128xf32, #tpu.memory_space<hbm>> -> memref<640x128xf32, #tpu.memory_space<hbm>>
          tpu.enqueue_dma source(%dma_start3A_40 : memref<640x128xf32, #tpu.memory_space<hbm>>) target(%dma_start3A_38 : memref<640x128xf32, #tpu.memory_space<vmem_shared>>) target_semaphore(%run_scoped3A : memref<!tpu.dma_semaphore, #tpu.memory_space<semaphore_mem>>)
          %dma_wait3A_41 = arith.constant 0 : i32
          %dma_wait3A_42 = tpu.memref_slice %arg12[%mul3A_2, %dma_wait3A_41] : memref<10240x128xf32, #tpu.memory_space<vmem_shared>> -> memref<640x128xf32, #tpu.memory_space<vmem_shared>>
          %dma_wait3A_43 = arith.constant 0 : i32
          %dma_wait3A_44 = tpu.memref_slice %arg5[%mul3A_2, %dma_wait3A_43] : memref<10000x128xf32, #tpu.memory_space<hbm>> -> memref<640x128xf32, #tpu.memory_space<hbm>>
          tpu.wait_dma2 semaphore(%run_scoped3A : memref<!tpu.dma_semaphore, #tpu.memory_space<semaphore_mem>>) src(%dma_wait3A_44 : memref<640x128xf32, #tpu.memory_space<hbm>>) dst(%dma_wait3A_42 : memref<640x128xf32, #tpu.memory_space<vmem_shared>>)
          tpu.yield
        }) : () -> ()
      } else {
      }
      %eq3A_32 = arith.constant 15 : i32
      %eq3A_33 = arith.cmpi eq, %arg1, %eq3A_32 : i32
      %convert_element_type3A_34 = arith.extui %eq3A_33 : i1 to i32
      %cond3A_35 = arith.constant 0 : i32
      %cond3A_36 = arith.cmpi ne, %convert_element_type3A_34, %cond3A_35 : i32
      scf.if %cond3A_36 {
        "tpu.region"() ({
          %run_scoped3A = tpu.sem_alloc : memref<!tpu.dma_semaphore, #tpu.memory_space<semaphore_mem>>
          %dma_start3A_37 = arith.constant 0 : i32
          %dma_start3A_38 = tpu.memref_slice %arg12[%mul3A_2, %dma_start3A_37] : memref<10240x128xf32, #tpu.memory_space<vmem_shared>> -> memref<400x128xf32, #tpu.memory_space<vmem_shared>>
          %dma_start3A_39 = arith.constant 0 : i32
          %dma_start3A_40 = tpu.memref_slice %arg5[%mul3A_2, %dma_start3A_39] : memref<10000x128xf32, #tpu.memory_space<hbm>> -> memref<400x128xf32, #tpu.memory_space<hbm>>
          tpu.enqueue_dma source(%dma_start3A_40 : memref<400x128xf32, #tpu.memory_space<hbm>>) target(%dma_start3A_38 : memref<400x128xf32, #tpu.memory_space<vmem_shared>>) target_semaphore(%run_scoped3A : memref<!tpu.dma_semaphore, #tpu.memory_space<semaphore_mem>>)
          %dma_wait3A_41 = arith.constant 0 : i32
          %dma_wait3A_42 = tpu.memref_slice %arg12[%mul3A_2, %dma_wait3A_41] : memref<10240x128xf32, #tpu.memory_space<vmem_shared>> -> memref<400x128xf32, #tpu.memory_space<vmem_shared>>
          %dma_wait3A_43 = arith.constant 0 : i32
          %dma_wait3A_44 = tpu.memref_slice %arg5[%mul3A_2, %dma_wait3A_43] : memref<10000x128xf32, #tpu.memory_space<hbm>> -> memref<400x128xf32, #tpu.memory_space<hbm>>
          tpu.wait_dma2 semaphore(%run_scoped3A : memref<!tpu.dma_semaphore, #tpu.memory_space<semaphore_mem>>) src(%dma_wait3A_44 : memref<400x128xf32, #tpu.memory_space<hbm>>) dst(%dma_wait3A_42 : memref<400x128xf32, #tpu.memory_space<vmem_shared>>)
          tpu.yield
        }) : () -> ()
      } else {
      }
    } else {
    }
    %barrier3A = arith.constant 0 : index
    tpu.barrier barrier_id(%barrier3A)
    %mul3A_9 = arith.constant 10000 : i32
    %mul3A_10 = arith.muli %add3A, %mul3A_9 : i32
    %scan3A = arith.constant 0 : i32
    %scan3A_11 = arith.constant 78 : i32
    %scan3A_12 = arith.addi %scan3A, %scan3A_11 : i32
    %scan3A_13 = arith.constant 1 : i32
    scf.for %scan3A_28 = %scan3A to %scan3A_12 step %scan3A_13  : i32 {
      %mul3A_29 = arith.constant 1 : i32
      %mul3A_30 = arith.muli %scan3A_28, %mul3A_29 : i32
      %add3A_31 = arith.constant 0 : i32
      %add3A_32 = arith.addi %add3A_31, %mul3A_30 : i32
      %mul3A_33 = arith.constant 128 : i32
      %mul3A_34 = arith.muli %add3A_32, %mul3A_33 : i32
      %add3A_35 = arith.addi %mul3A_10, %mul3A_34 : i32
      "tpu.region"() ({
        %run_scoped3A = tpu.sem_alloc : memref<!tpu.dma_semaphore, #tpu.memory_space<semaphore_mem>>
        %dma_start3A_42 = tpu.memref_slice %arg3[%add3A_35] : memref<320000xi32, #tpu.memory_space<hbm>> -> memref<128xi32, #tpu.memory_space<hbm>>
        %dma_start3A_43 = tpu.memref_slice %arg3[%add3A_35] : memref<320000xi32, #tpu.memory_space<hbm>> -> memref<128xi32, #tpu.memory_space<hbm>>
        tpu.enqueue_dma source(%dma_start3A_43 : memref<128xi32, #tpu.memory_space<hbm>>) target(%arg7 : memref<128xi32, #tpu.memory_space<vmem>>) target_semaphore(%run_scoped3A : memref<!tpu.dma_semaphore, #tpu.memory_space<semaphore_mem>>)
        %dma_wait3A_44 = tpu.memref_slice %arg3[%add3A_35] : memref<320000xi32, #tpu.memory_space<hbm>> -> memref<128xi32, #tpu.memory_space<hbm>>
        %dma_wait3A_45 = tpu.memref_slice %arg3[%add3A_35] : memref<320000xi32, #tpu.memory_space<hbm>> -> memref<128xi32, #tpu.memory_space<hbm>>
        tpu.wait_dma2 semaphore(%run_scoped3A : memref<!tpu.dma_semaphore, #tpu.memory_space<semaphore_mem>>) src(%dma_wait3A_45 : memref<128xi32, #tpu.memory_space<hbm>>) dst(%arg7 : memref<128xi32, #tpu.memory_space<vmem>>)
        tpu.yield
      }) : () -> ()
      "tpu.region"() ({
        %run_scoped3A = tpu.sem_alloc : memref<!tpu.dma_semaphore, #tpu.memory_space<semaphore_mem>>
        %dma_start3A_42 = tpu.memref_slice %arg4[%add3A_35] : memref<320000xi32, #tpu.memory_space<hbm>> -> memref<128xi32, #tpu.memory_space<hbm>>
        %dma_start3A_43 = tpu.memref_slice %arg4[%add3A_35] : memref<320000xi32, #tpu.memory_space<hbm>> -> memref<128xi32, #tpu.memory_space<hbm>>
        tpu.enqueue_dma source(%dma_start3A_43 : memref<128xi32, #tpu.memory_space<hbm>>) target(%arg8 : memref<128xi32, #tpu.memory_space<vmem>>) target_semaphore(%run_scoped3A : memref<!tpu.dma_semaphore, #tpu.memory_space<semaphore_mem>>)
        %dma_wait3A_44 = tpu.memref_slice %arg4[%add3A_35] : memref<320000xi32, #tpu.memory_space<hbm>> -> memref<128xi32, #tpu.memory_space<hbm>>
        %dma_wait3A_45 = tpu.memref_slice %arg4[%add3A_35] : memref<320000xi32, #tpu.memory_space<hbm>> -> memref<128xi32, #tpu.memory_space<hbm>>
        tpu.wait_dma2 semaphore(%run_scoped3A : memref<!tpu.dma_semaphore, #tpu.memory_space<semaphore_mem>>) src(%dma_wait3A_45 : memref<128xi32, #tpu.memory_space<hbm>>) dst(%arg8 : memref<128xi32, #tpu.memory_space<vmem>>)
        tpu.yield
      }) : () -> ()
      %dma_start3A_36 = arith.constant 0 : i32
      %dma_start3A_37 = arith.constant 0 : i32
      %dma_start3A_38 = tpu.memref_slice %arg2[%dma_start3A_36, %dma_start3A_37] : memref<10000x128xf32, #tpu.memory_space<hbm>> -> memref<10000x128xf32, #tpu.memory_space<hbm>>
      tpu.enqueue_indirect_dma source(%dma_start3A_38 : memref<10000x128xf32, #tpu.memory_space<hbm>>) target(%arg11 : memref<128x128xf32, #tpu.memory_space<vmem>>) offsets(%arg7 : memref<128xi32, #tpu.memory_space<vmem>>) semaphore(%arg13 : memref<!tpu.dma_semaphore, #tpu.memory_space<semaphore_mem>>)
      %dma_wait3A_39 = arith.constant 0 : i32
      %dma_wait3A_40 = arith.constant 0 : i32
      %dma_wait3A_41 = tpu.memref_slice %arg2[%dma_wait3A_39, %dma_wait3A_40] : memref<10000x128xf32, #tpu.memory_space<hbm>> -> memref<10000x128xf32, #tpu.memory_space<hbm>>
      tpu.wait_indirect_dma semaphore(%arg13 : memref<!tpu.dma_semaphore, #tpu.memory_space<semaphore_mem>>) src(%dma_wait3A_41 : memref<10000x128xf32, #tpu.memory_space<hbm>>) dst(%arg11 : memref<128x128xf32, #tpu.memory_space<vmem>>)
      "tpu.region"() ({
        %run_scoped3A = tpu.sem_alloc : memref<!tpu.dma_semaphore, #tpu.memory_space<semaphore_mem>>
        %dma_start3A_42 = arith.constant 0 : i32
        %dma_start3A_43 = arith.constant 0 : i32
        %dma_start3A_44 = tpu.memref_slice %arg12[%dma_start3A_42, %dma_start3A_43] : memref<10240x128xf32, #tpu.memory_space<vmem_shared>> -> memref<10240x128xf32, #tpu.memory_space<vmem_shared>>
        tpu.enqueue_indirect_dma source(%arg11 : memref<128x128xf32, #tpu.memory_space<vmem>>) target(%dma_start3A_44 : memref<10240x128xf32, #tpu.memory_space<vmem_shared>>) offsets(%arg8 : memref<128xi32, #tpu.memory_space<vmem>>) semaphore(%run_scoped3A : memref<!tpu.dma_semaphore, #tpu.memory_space<semaphore_mem>>) {add = true}
        %dma_wait3A_45 = arith.constant 0 : i32
        %dma_wait3A_46 = arith.constant 0 : i32
        %dma_wait3A_47 = tpu.memref_slice %arg12[%dma_wait3A_45, %dma_wait3A_46] : memref<10240x128xf32, #tpu.memory_space<vmem_shared>> -> memref<10240x128xf32, #tpu.memory_space<vmem_shared>>
        tpu.wait_indirect_dma semaphore(%run_scoped3A : memref<!tpu.dma_semaphore, #tpu.memory_space<semaphore_mem>>) src(%arg11 : memref<128x128xf32, #tpu.memory_space<vmem>>) dst(%dma_wait3A_47 : memref<10240x128xf32, #tpu.memory_space<vmem_shared>>)
        tpu.yield
      }) : () -> ()
    }
    %scan3A_14 = arith.constant 78 : i32
    %add3A_15 = arith.constant 9984 : i32
    %add3A_16 = arith.addi %mul3A_10, %add3A_15 : i32
    "tpu.region"() ({
      %run_scoped3A = tpu.sem_alloc : memref<!tpu.dma_semaphore, #tpu.memory_space<semaphore_mem>>
      %dma_start3A_28 = tpu.memref_slice %arg3[%add3A_16] : memref<320000xi32, #tpu.memory_space<hbm>> -> memref<16xi32, #tpu.memory_space<hbm>>
      %dma_start3A_29 = tpu.memref_slice %arg3[%add3A_16] : memref<320000xi32, #tpu.memory_space<hbm>> -> memref<16xi32, #tpu.memory_space<hbm>>
      tpu.enqueue_dma source(%dma_start3A_29 : memref<16xi32, #tpu.memory_space<hbm>>) target(%arg9 : memref<16xi32, #tpu.memory_space<vmem>>) target_semaphore(%run_scoped3A : memref<!tpu.dma_semaphore, #tpu.memory_space<semaphore_mem>>)
      %dma_wait3A_30 = tpu.memref_slice %arg3[%add3A_16] : memref<320000xi32, #tpu.memory_space<hbm>> -> memref<16xi32, #tpu.memory_space<hbm>>
      %dma_wait3A_31 = tpu.memref_slice %arg3[%add3A_16] : memref<320000xi32, #tpu.memory_space<hbm>> -> memref<16xi32, #tpu.memory_space<hbm>>
      tpu.wait_dma2 semaphore(%run_scoped3A : memref<!tpu.dma_semaphore, #tpu.memory_space<semaphore_mem>>) src(%dma_wait3A_31 : memref<16xi32, #tpu.memory_space<hbm>>) dst(%arg9 : memref<16xi32, #tpu.memory_space<vmem>>)
      tpu.yield
    }) : () -> ()
    "tpu.region"() ({
      %run_scoped3A = tpu.sem_alloc : memref<!tpu.dma_semaphore, #tpu.memory_space<semaphore_mem>>
      %dma_start3A_28 = tpu.memref_slice %arg4[%add3A_16] : memref<320000xi32, #tpu.memory_space<hbm>> -> memref<16xi32, #tpu.memory_space<hbm>>
      %dma_start3A_29 = tpu.memref_slice %arg4[%add3A_16] : memref<320000xi32, #tpu.memory_space<hbm>> -> memref<16xi32, #tpu.memory_space<hbm>>
      tpu.enqueue_dma source(%dma_start3A_29 : memref<16xi32, #tpu.memory_space<hbm>>) target(%arg10 : memref<16xi32, #tpu.memory_space<vmem>>) target_semaphore(%run_scoped3A : memref<!tpu.dma_semaphore, #tpu.memory_space<semaphore_mem>>)
      %dma_wait3A_30 = tpu.memref_slice %arg4[%add3A_16] : memref<320000xi32, #tpu.memory_space<hbm>> -> memref<16xi32, #tpu.memory_space<hbm>>
      %dma_wait3A_31 = tpu.memref_slice %arg4[%add3A_16] : memref<320000xi32, #tpu.memory_space<hbm>> -> memref<16xi32, #tpu.memory_space<hbm>>
      tpu.wait_dma2 semaphore(%run_scoped3A : memref<!tpu.dma_semaphore, #tpu.memory_space<semaphore_mem>>) src(%dma_wait3A_31 : memref<16xi32, #tpu.memory_space<hbm>>) dst(%arg10 : memref<16xi32, #tpu.memory_space<vmem>>)
      tpu.yield
    }) : () -> ()
    %dma_start3A = arith.constant 0 : i32
    %dma_start3A_17 = arith.constant 0 : i32
    %dma_start3A_18 = tpu.memref_slice %arg11[%dma_start3A, %dma_start3A_17] : memref<128x128xf32, #tpu.memory_space<vmem>> -> memref<16x128xf32, #tpu.memory_space<vmem>>
    %dma_start3A_19 = arith.constant 0 : i32
    %dma_start3A_20 = arith.constant 0 : i32
    %dma_start3A_21 = tpu.memref_slice %arg2[%dma_start3A_19, %dma_start3A_20] : memref<10000x128xf32, #tpu.memory_space<hbm>> -> memref<10000x128xf32, #tpu.memory_space<hbm>>
    tpu.enqueue_indirect_dma source(%dma_start3A_21 : memref<10000x128xf32, #tpu.memory_space<hbm>>) target(%dma_start3A_18 : memref<16x128xf32, #tpu.memory_space<vmem>>) offsets(%arg9 : memref<16xi32, #tpu.memory_space<vmem>>) semaphore(%arg13 : memref<!tpu.dma_semaphore, #tpu.memory_space<semaphore_mem>>)
    %dma_wait3A = arith.constant 0 : i32
    %dma_wait3A_22 = arith.constant 0 : i32
    %dma_wait3A_23 = tpu.memref_slice %arg11[%dma_wait3A, %dma_wait3A_22] : memref<128x128xf32, #tpu.memory_space<vmem>> -> memref<16x128xf32, #tpu.memory_space<vmem>>
    %dma_wait3A_24 = arith.constant 0 : i32
    %dma_wait3A_25 = arith.constant 0 : i32
    %dma_wait3A_26 = tpu.memref_slice %arg2[%dma_wait3A_24, %dma_wait3A_25] : memref<10000x128xf32, #tpu.memory_space<hbm>> -> memref<10000x128xf32, #tpu.memory_space<hbm>>
    tpu.wait_indirect_dma semaphore(%arg13 : memref<!tpu.dma_semaphore, #tpu.memory_space<semaphore_mem>>) src(%dma_wait3A_26 : memref<10000x128xf32, #tpu.memory_space<hbm>>) dst(%dma_wait3A_23 : memref<16x128xf32, #tpu.memory_space<vmem>>)
    "tpu.region"() ({
      %run_scoped3A = tpu.sem_alloc : memref<!tpu.dma_semaphore, #tpu.memory_space<semaphore_mem>>
      %dma_start3A_28 = arith.constant 0 : i32
      %dma_start3A_29 = arith.constant 0 : i32
      %dma_start3A_30 = tpu.memref_slice %arg11[%dma_start3A_28, %dma_start3A_29] : memref<128x128xf32, #tpu.memory_space<vmem>> -> memref<16x128xf32, #tpu.memory_space<vmem>>
      %dma_start3A_31 = arith.constant 0 : i32
      %dma_start3A_32 = arith.constant 0 : i32
      %dma_start3A_33 = tpu.memref_slice %arg12[%dma_start3A_31, %dma_start3A_32] : memref<10240x128xf32, #tpu.memory_space<vmem_shared>> -> memref<10240x128xf32, #tpu.memory_space<vmem_shared>>
      tpu.enqueue_indirect_dma source(%dma_start3A_30 : memref<16x128xf32, #tpu.memory_space<vmem>>) target(%dma_start3A_33 : memref<10240x128xf32, #tpu.memory_space<vmem_shared>>) offsets(%arg10 : memref<16xi32, #tpu.memory_space<vmem>>) semaphore(%run_scoped3A : memref<!tpu.dma_semaphore, #tpu.memory_space<semaphore_mem>>) {add = true}
      %dma_wait3A_34 = arith.constant 0 : i32
      %dma_wait3A_35 = arith.constant 0 : i32
      %dma_wait3A_36 = tpu.memref_slice %arg11[%dma_wait3A_34, %dma_wait3A_35] : memref<128x128xf32, #tpu.memory_space<vmem>> -> memref<16x128xf32, #tpu.memory_space<vmem>>
      %dma_wait3A_37 = arith.constant 0 : i32
      %dma_wait3A_38 = arith.constant 0 : i32
      %dma_wait3A_39 = tpu.memref_slice %arg12[%dma_wait3A_37, %dma_wait3A_38] : memref<10240x128xf32, #tpu.memory_space<vmem_shared>> -> memref<10240x128xf32, #tpu.memory_space<vmem_shared>>
      tpu.wait_indirect_dma semaphore(%run_scoped3A : memref<!tpu.dma_semaphore, #tpu.memory_space<semaphore_mem>>) src(%dma_wait3A_36 : memref<16x128xf32, #tpu.memory_space<vmem>>) dst(%dma_wait3A_39 : memref<10240x128xf32, #tpu.memory_space<vmem_shared>>)
      tpu.yield
    }) : () -> ()
    %barrier3A_27 = arith.constant 0 : index
    tpu.barrier barrier_id(%barrier3A_27)
    "tpu.region"() ({
      %run_scoped3A = tpu.sem_alloc : memref<!tpu.dma_semaphore, #tpu.memory_space<semaphore_mem>>
      %dma_start3A_28 = arith.constant 0 : i32
      %dma_start3A_29 = tpu.memref_slice %arg6[%arg0, %mul3A_2, %dma_start3A_28] : memref<2x10240x128xf32, #tpu.memory_space<hbm>> -> memref<1x640x128xf32, #tpu.memory_space<hbm>>
      %dma_start3A_30 = tpu.memref_squeeze %dma_start3A_29 : memref<1x640x128xf32, #tpu.memory_space<hbm>> -> memref<640x128xf32, #tpu.memory_space<hbm>>
      %dma_start3A_31 = arith.constant 0 : i32
      %dma_start3A_32 = tpu.memref_slice %arg12[%mul3A_2, %dma_start3A_31] : memref<10240x128xf32, #tpu.memory_space<vmem_shared>> -> memref<640x128xf32, #tpu.memory_space<vmem_shared>>
      tpu.enqueue_dma source(%dma_start3A_32 : memref<640x128xf32, #tpu.memory_space<vmem_shared>>) target(%dma_start3A_30 : memref<640x128xf32, #tpu.memory_space<hbm>>) target_semaphore(%run_scoped3A : memref<!tpu.dma_semaphore, #tpu.memory_space<semaphore_mem>>)
      %dma_wait3A_33 = arith.constant 0 : i32
      %dma_wait3A_34 = tpu.memref_slice %arg6[%arg0, %mul3A_2, %dma_wait3A_33] : memref<2x10240x128xf32, #tpu.memory_space<hbm>> -> memref<1x640x128xf32, #tpu.memory_space<hbm>>
      %dma_wait3A_35 = tpu.memref_squeeze %dma_wait3A_34 : memref<1x640x128xf32, #tpu.memory_space<hbm>> -> memref<640x128xf32, #tpu.memory_space<hbm>>
      %dma_wait3A_36 = arith.constant 0 : i32
      %dma_wait3A_37 = tpu.memref_slice %arg12[%mul3A_2, %dma_wait3A_36] : memref<10240x128xf32, #tpu.memory_space<vmem_shared>> -> memref<640x128xf32, #tpu.memory_space<vmem_shared>>
      tpu.wait_dma2 semaphore(%run_scoped3A : memref<!tpu.dma_semaphore, #tpu.memory_space<semaphore_mem>>) src(%dma_wait3A_37 : memref<640x128xf32, #tpu.memory_space<vmem_shared>>) dst(%dma_wait3A_35 : memref<640x128xf32, #tpu.memory_space<hbm>>)
      tpu.yield
    }) : () -> ()
    return
  }
}

module attributes {stable_mosaic.version = 14 : i64} {
  func.func @body(%arg0: i32, %arg1: memref<2000x128xf32, #tpu.memory_space<vmem>>, %arg2: memref<2000x1xf32, #tpu.memory_space<vmem>>, %arg3: memref<2000x1xf32, #tpu.memory_space<vmem>>, %arg4: memref<128x128xf32, #tpu.memory_space<vmem>>, %arg5: memref<128x128xf32, #tpu.memory_space<vmem>>, %arg6: memref<128xf32, #tpu.memory_space<vmem>>, %arg7: memref<128x128xf32, #tpu.memory_space<vmem>>, %arg8: memref<128xf32, #tpu.memory_space<vmem>>, %arg9: memref<2000x128xf32, #tpu.memory_space<vmem>>, %arg10: memref<2000x128xf32, #tpu.memory_space<vmem>>, %arg11: memref<2000x1xf32, #tpu.memory_space<vmem>>) attributes {dimension_semantics = [#tpu.dimension_semantics<arbitrary>], iteration_bounds = array<i64: 5>, scalar_prefetch = 0 : i64, scratch_operands = 0 : i64, tpu.core_type = #tpu.core_type<tc>, window_params = [{transform_indices = @transform_0, window_bounds = array<i64: 2000, 128>}, {transform_indices = @transform_1, window_bounds = array<i64: 2000, 1>}, {transform_indices = @transform_2, window_bounds = array<i64: 2000, 1>}, {pipeline_mode = #tpu.pipeline_mode<synchronous>, transform_indices = @transform_3, window_bounds = array<i64: 128, 128>}, {pipeline_mode = #tpu.pipeline_mode<synchronous>, transform_indices = @transform_4, window_bounds = array<i64: 128, 128>}, {pipeline_mode = #tpu.pipeline_mode<synchronous>, transform_indices = @transform_5, window_bounds = array<i64: 128>}, {pipeline_mode = #tpu.pipeline_mode<synchronous>, transform_indices = @transform_6, window_bounds = array<i64: 128, 128>}, {pipeline_mode = #tpu.pipeline_mode<synchronous>, transform_indices = @transform_7, window_bounds = array<i64: 128>}, {transform_indices = @transform_8, window_bounds = array<i64: 2000, 128>}, {transform_indices = @transform_9, window_bounds = array<i64: 2000, 128>}, {transform_indices = @transform_10, window_bounds = array<i64: 2000, 1>}]} {
    %get3A = arith.constant 0 : index
    %get3A_0 = arith.constant 0 : index
    %get3A_1 = vector.load %arg2[%get3A, %get3A_0] : memref<2000x1xf32, #tpu.memory_space<vmem>>, vector<2000x1xf32>
    %get3A_2 = arith.constant 0 : index
    %get3A_3 = arith.constant 0 : index
    %get3A_4 = vector.load %arg3[%get3A_2, %get3A_3] : memref<2000x1xf32, #tpu.memory_space<vmem>>, vector<2000x1xf32>
    %add3A = arith.addf %get3A_1, %get3A_4 : vector<2000x1xf32>
    %add3A_5 = arith.constant 1.000000e+00 : f32
    %add3A_6 = vector.broadcast %add3A_5 : f32 to vector<2000x1xf32>
    %add3A_7 = arith.addf %add3A, %add3A_6 : vector<2000x1xf32>
    %rsqrt3A = math.rsqrt %add3A_7 : vector<2000x1xf32>
    %get3A_8 = arith.constant 0 : index
    %get3A_9 = arith.constant 0 : index
    %get3A_10 = vector.load %arg1[%get3A_8, %get3A_9] : memref<2000x128xf32, #tpu.memory_space<vmem>>, vector<2000x128xf32>
    %get3A_11 = arith.constant 0 : index
    %get3A_12 = arith.constant 0 : index
    %get3A_13 = vector.load %arg4[%get3A_11, %get3A_12] : memref<128x128xf32, #tpu.memory_space<vmem>>, vector<128x128xf32>
    %dot_general3A = arith.constant dense<0.000000e+00> : vector<2000x128xf32>
    %dot_general3A_14 = tpu.matmul %get3A_10, %get3A_13, %dot_general3A {dimension_numbers = #tpu.dot_dimension_numbers<[1], [0], [0], [1], [0, 0, 1, 1], [], []>, precision = #tpu.contract_precision<fp32>, transpose_lhs_hint = false} : vector<2000x128xf32>, vector<128x128xf32>, vector<2000x128xf32> -> vector<2000x128xf32>
    %mul3A = vector.broadcast %rsqrt3A : vector<2000x1xf32> to vector<2000x128xf32>
    %mul3A_15 = arith.mulf %dot_general3A_14, %mul3A : vector<2000x128xf32>
    %swap3A = arith.constant 0 : index
    %swap3A_16 = arith.constant 0 : index
    %swap3A_17 = vector.load %arg9[%swap3A, %swap3A_16] : memref<2000x128xf32, #tpu.memory_space<vmem>>, vector<2000x128xf32>
    tpu.vector_store %arg9[%swap3A, %swap3A_16], %mul3A_15 {strides = array<i32>} : memref<2000x128xf32, #tpu.memory_space<vmem>>, vector<2000x128xf32>,
    %get3A_18 = arith.constant 0 : index
    %get3A_19 = arith.constant 0 : index
    %get3A_20 = vector.load %arg5[%get3A_18, %get3A_19] : memref<128x128xf32, #tpu.memory_space<vmem>>, vector<128x128xf32>
    %dot_general3A_21 = arith.constant dense<0.000000e+00> : vector<2000x128xf32>
    %dot_general3A_22 = tpu.matmul %get3A_10, %get3A_20, %dot_general3A_21 {dimension_numbers = #tpu.dot_dimension_numbers<[1], [0], [0], [1], [0, 0, 1, 1], [], []>, precision = #tpu.contract_precision<fp32>, transpose_lhs_hint = false} : vector<2000x128xf32>, vector<128x128xf32>, vector<2000x128xf32> -> vector<2000x128xf32>
    %get3A_23 = arith.constant 0 : index
    %get3A_24 = vector.load %arg6[%get3A_23] : memref<128xf32, #tpu.memory_space<vmem>>, vector<128xf32>
    %broadcast_in_dim3A = vector.shape_cast %get3A_24 : vector<128xf32> to vector<1x128xf32>
    %add3A_25 = vector.broadcast %broadcast_in_dim3A : vector<1x128xf32> to vector<2000x128xf32>
    %add3A_26 = arith.addf %dot_general3A_22, %add3A_25 : vector<2000x128xf32>
    %max3A = arith.constant 0.000000e+00 : f32
    %max3A_27 = vector.broadcast %max3A : f32 to vector<2000x128xf32>
    %max3A_28 = arith.maximumf %add3A_26, %max3A_27 : vector<2000x128xf32>
    %get3A_29 = arith.constant 0 : index
    %get3A_30 = arith.constant 0 : index
    %get3A_31 = vector.load %arg7[%get3A_29, %get3A_30] : memref<128x128xf32, #tpu.memory_space<vmem>>, vector<128x128xf32>
    %dot_general3A_32 = arith.constant dense<0.000000e+00> : vector<2000x128xf32>
    %dot_general3A_33 = tpu.matmul %max3A_28, %get3A_31, %dot_general3A_32 {dimension_numbers = #tpu.dot_dimension_numbers<[1], [0], [0], [1], [0, 0, 1, 1], [], []>, precision = #tpu.contract_precision<fp32>, transpose_lhs_hint = false} : vector<2000x128xf32>, vector<128x128xf32>, vector<2000x128xf32> -> vector<2000x128xf32>
    %get3A_34 = arith.constant 0 : index
    %get3A_35 = vector.load %arg8[%get3A_34] : memref<128xf32, #tpu.memory_space<vmem>>, vector<128xf32>
    %broadcast_in_dim3A_36 = vector.shape_cast %get3A_35 : vector<128xf32> to vector<1x128xf32>
    %add3A_37 = vector.broadcast %broadcast_in_dim3A_36 : vector<1x128xf32> to vector<2000x128xf32>
    %add3A_38 = arith.addf %dot_general3A_33, %add3A_37 : vector<2000x128xf32>
    %swap3A_39 = arith.constant 0 : index
    %swap3A_40 = arith.constant 0 : index
    %swap3A_41 = vector.load %arg10[%swap3A_39, %swap3A_40] : memref<2000x128xf32, #tpu.memory_space<vmem>>, vector<2000x128xf32>
    tpu.vector_store %arg10[%swap3A_39, %swap3A_40], %add3A_38 {strides = array<i32>} : memref<2000x128xf32, #tpu.memory_space<vmem>>, vector<2000x128xf32>,
    %swap3A_42 = arith.constant 0 : index
    %swap3A_43 = arith.constant 0 : index
    %swap3A_44 = vector.load %arg11[%swap3A_42, %swap3A_43] : memref<2000x1xf32, #tpu.memory_space<vmem>>, vector<2000x1xf32>
    tpu.vector_store %arg11[%swap3A_42, %swap3A_43], %rsqrt3A {strides = array<i32>} : memref<2000x1xf32, #tpu.memory_space<vmem>>, vector<2000x1xf32>,
    return
  }
  func.func @transform_0(%arg0: i32) -> (i32, i32) {
    %c0_i32 = arith.constant 0 : i32
    %c0_i32_0 = arith.constant 0 : i32
    return %arg0, %c0_i32 : i32, i32
  }
  func.func @transform_1(%arg0: i32) -> (i32, i32) {
    %c0_i32 = arith.constant 0 : i32
    %c0_i32_0 = arith.constant 0 : i32
    return %arg0, %c0_i32 : i32, i32
  }
  func.func @transform_2(%arg0: i32) -> (i32, i32) {
    %c0_i32 = arith.constant 0 : i32
    %c0_i32_0 = arith.constant 0 : i32
    return %arg0, %c0_i32 : i32, i32
  }
  func.func @transform_3(%arg0: i32) -> (i32, i32) {
    %c0_i32 = arith.constant 0 : i32
    %c0_i32_0 = arith.constant 0 : i32
    %c0_i32_1 = arith.constant 0 : i32
    return %c0_i32, %c0_i32_0 : i32, i32
  }
  func.func @transform_4(%arg0: i32) -> (i32, i32) {
    %c0_i32 = arith.constant 0 : i32
    %c0_i32_0 = arith.constant 0 : i32
    %c0_i32_1 = arith.constant 0 : i32
    return %c0_i32, %c0_i32_0 : i32, i32
  }
  func.func @transform_5(%arg0: i32) -> i32 {
    %c0_i32 = arith.constant 0 : i32
    %c0_i32_0 = arith.constant 0 : i32
    return %c0_i32 : i32
  }
  func.func @transform_6(%arg0: i32) -> (i32, i32) {
    %c0_i32 = arith.constant 0 : i32
    %c0_i32_0 = arith.constant 0 : i32
    %c0_i32_1 = arith.constant 0 : i32
    return %c0_i32, %c0_i32_0 : i32, i32
  }
  func.func @transform_7(%arg0: i32) -> i32 {
    %c0_i32 = arith.constant 0 : i32
    %c0_i32_0 = arith.constant 0 : i32
    return %c0_i32 : i32
  }
  func.func @transform_8(%arg0: i32) -> (i32, i32) {
    %c0_i32 = arith.constant 0 : i32
    %c0_i32_0 = arith.constant 0 : i32
    return %arg0, %c0_i32 : i32, i32
  }
  func.func @transform_9(%arg0: i32) -> (i32, i32) {
    %c0_i32 = arith.constant 0 : i32
    %c0_i32_0 = arith.constant 0 : i32
    return %arg0, %c0_i32 : i32, i32
  }
  func.func @transform_10(%arg0: i32) -> (i32, i32) {
    %c0_i32 = arith.constant 0 : i32
    %c0_i32_0 = arith.constant 0 : i32
    return %arg0, %c0_i32 : i32, i32
  }
}

module attributes {stable_mosaic.version = 14 : i64} {
  func.func @body(%arg0: i32, %arg1: memref<2000x128xf32, #tpu.memory_space<vmem>>, %arg2: memref<2000x128xf32, #tpu.memory_space<vmem>>, %arg3: memref<2000x1xf32, #tpu.memory_space<vmem>>, %arg4: memref<128xf32, #tpu.memory_space<vmem>>, %arg5: memref<128x128xf32, #tpu.memory_space<vmem>>, %arg6: memref<2000x128xf32, #tpu.memory_space<vmem>>) attributes {dimension_semantics = [#tpu.dimension_semantics<arbitrary>], iteration_bounds = array<i64: 5>, scalar_prefetch = 0 : i64, scratch_operands = 0 : i64, tpu.core_type = #tpu.core_type<tc>, window_params = [{transform_indices = @transform_0, window_bounds = array<i64: 2000, 128>}, {transform_indices = @transform_1, window_bounds = array<i64: 2000, 128>}, {transform_indices = @transform_2, window_bounds = array<i64: 2000, 1>}, {pipeline_mode = #tpu.pipeline_mode<synchronous>, transform_indices = @transform_3, window_bounds = array<i64: 128>}, {pipeline_mode = #tpu.pipeline_mode<synchronous>, transform_indices = @transform_4, window_bounds = array<i64: 128, 128>}, {transform_indices = @transform_5, window_bounds = array<i64: 2000, 128>}]} {
    %get3A = arith.constant 0 : index
    %get3A_0 = arith.constant 0 : index
    %get3A_1 = vector.load %arg3[%get3A, %get3A_0] : memref<2000x1xf32, #tpu.memory_space<vmem>>, vector<2000x1xf32>
    %get3A_2 = arith.constant 0 : index
    %get3A_3 = arith.constant 0 : index
    %get3A_4 = vector.load %arg1[%get3A_2, %get3A_3] : memref<2000x128xf32, #tpu.memory_space<vmem>>, vector<2000x128xf32>
    %get3A_5 = arith.constant 0 : index
    %get3A_6 = arith.constant 0 : index
    %get3A_7 = vector.load %arg2[%get3A_5, %get3A_6] : memref<2000x128xf32, #tpu.memory_space<vmem>>, vector<2000x128xf32>
    %add3A = arith.addf %get3A_4, %get3A_7 : vector<2000x128xf32>
    %mul3A = vector.broadcast %get3A_1 : vector<2000x1xf32> to vector<2000x128xf32>
    %mul3A_8 = arith.mulf %add3A, %mul3A : vector<2000x128xf32>
    %get3A_9 = arith.constant 0 : index
    %get3A_10 = vector.load %arg4[%get3A_9] : memref<128xf32, #tpu.memory_space<vmem>>, vector<128xf32>
    %broadcast_in_dim3A = vector.shape_cast %get3A_10 : vector<128xf32> to vector<1x128xf32>
    %add3A_11 = vector.broadcast %broadcast_in_dim3A : vector<1x128xf32> to vector<2000x128xf32>
    %add3A_12 = arith.addf %mul3A_8, %add3A_11 : vector<2000x128xf32>
    %max3A = arith.constant 0.000000e+00 : f32
    %max3A_13 = vector.broadcast %max3A : f32 to vector<2000x128xf32>
    %max3A_14 = arith.maximumf %add3A_12, %max3A_13 : vector<2000x128xf32>
    %get3A_15 = arith.constant 0 : index
    %get3A_16 = arith.constant 0 : index
    %get3A_17 = vector.load %arg5[%get3A_15, %get3A_16] : memref<128x128xf32, #tpu.memory_space<vmem>>, vector<128x128xf32>
    %dot_general3A = arith.constant dense<0.000000e+00> : vector<2000x128xf32>
    %dot_general3A_18 = tpu.matmul %max3A_14, %get3A_17, %dot_general3A {dimension_numbers = #tpu.dot_dimension_numbers<[1], [0], [0], [1], [0, 0, 1, 1], [], []>, precision = #tpu.contract_precision<fp32>, transpose_lhs_hint = false} : vector<2000x128xf32>, vector<128x128xf32>, vector<2000x128xf32> -> vector<2000x128xf32>
    %mul3A_19 = vector.broadcast %get3A_1 : vector<2000x1xf32> to vector<2000x128xf32>
    %mul3A_20 = arith.mulf %dot_general3A_18, %mul3A_19 : vector<2000x128xf32>
    %swap3A = arith.constant 0 : index
    %swap3A_21 = arith.constant 0 : index
    %swap3A_22 = vector.load %arg6[%swap3A, %swap3A_21] : memref<2000x128xf32, #tpu.memory_space<vmem>>, vector<2000x128xf32>
    tpu.vector_store %arg6[%swap3A, %swap3A_21], %mul3A_20 {strides = array<i32>} : memref<2000x128xf32, #tpu.memory_space<vmem>>, vector<2000x128xf32>,
    return
  }
  func.func @transform_0(%arg0: i32) -> (i32, i32) {
    %c0_i32 = arith.constant 0 : i32
    %c0_i32_0 = arith.constant 0 : i32
    return %arg0, %c0_i32 : i32, i32
  }
  func.func @transform_1(%arg0: i32) -> (i32, i32) {
    %c0_i32 = arith.constant 0 : i32
    %c0_i32_0 = arith.constant 0 : i32
    return %arg0, %c0_i32 : i32, i32
  }
  func.func @transform_2(%arg0: i32) -> (i32, i32) {
    %c0_i32 = arith.constant 0 : i32
    %c0_i32_0 = arith.constant 0 : i32
    return %arg0, %c0_i32 : i32, i32
  }
  func.func @transform_3(%arg0: i32) -> i32 {
    %c0_i32 = arith.constant 0 : i32
    %c0_i32_0 = arith.constant 0 : i32
    return %c0_i32 : i32
  }
  func.func @transform_4(%arg0: i32) -> (i32, i32) {
    %c0_i32 = arith.constant 0 : i32
    %c0_i32_0 = arith.constant 0 : i32
    %c0_i32_1 = arith.constant 0 : i32
    return %c0_i32, %c0_i32_0 : i32, i32
  }
  func.func @transform_5(%arg0: i32) -> (i32, i32) {
    %c0_i32 = arith.constant 0 : i32
    %c0_i32_0 = arith.constant 0 : i32
    return %arg0, %c0_i32 : i32, i32
  }
}

module attributes {stable_mosaic.version = 14 : i64} {
  func.func @body(%arg0: i32, %arg1: memref<2000x128xf32, #tpu.memory_space<vmem>>, %arg2: memref<2000x128xf32, #tpu.memory_space<vmem>>, %arg3: memref<2000x1xf32, #tpu.memory_space<vmem>>, %arg4: memref<128xf32, #tpu.memory_space<vmem>>, %arg5: memref<2000x128xf32, #tpu.memory_space<vmem>>, %arg6: memref<256x128xf32, #tpu.memory_space<vmem>>, %arg7: memref<128xf32, #tpu.memory_space<vmem>>, %arg8: memref<1x1xf32, #tpu.memory_space<vmem>>, %arg9: memref<2000x128xf32, #tpu.memory_space<vmem>>) attributes {dimension_semantics = [#tpu.dimension_semantics<arbitrary>], iteration_bounds = array<i64: 5>, scalar_prefetch = 0 : i64, scratch_operands = 0 : i64, tpu.core_type = #tpu.core_type<tc>, window_params = [{transform_indices = @transform_0, window_bounds = array<i64: 2000, 128>}, {transform_indices = @transform_1, window_bounds = array<i64: 2000, 128>}, {transform_indices = @transform_2, window_bounds = array<i64: 2000, 1>}, {pipeline_mode = #tpu.pipeline_mode<synchronous>, transform_indices = @transform_3, window_bounds = array<i64: 128>}, {transform_indices = @transform_4, window_bounds = array<i64: 2000, 128>}, {pipeline_mode = #tpu.pipeline_mode<synchronous>, transform_indices = @transform_5, window_bounds = array<i64: 256, 128>}, {pipeline_mode = #tpu.pipeline_mode<synchronous>, transform_indices = @transform_6, window_bounds = array<i64: 128>}, {pipeline_mode = #tpu.pipeline_mode<synchronous>, transform_indices = @transform_7, window_bounds = array<i64: 1, 1>}, {transform_indices = @transform_8, window_bounds = array<i64: 2000, 128>}]} {
    %get3A = arith.constant 0 : index
    %get3A_0 = arith.constant 0 : index
    %get3A_1 = vector.load %arg1[%get3A, %get3A_0] : memref<2000x128xf32, #tpu.memory_space<vmem>>, vector<2000x128xf32>
    %get3A_2 = arith.constant 0 : index
    %get3A_3 = arith.constant 0 : index
    %get3A_4 = vector.load %arg2[%get3A_2, %get3A_3] : memref<2000x128xf32, #tpu.memory_space<vmem>>, vector<2000x128xf32>
    %add3A = arith.addf %get3A_1, %get3A_4 : vector<2000x128xf32>
    %get3A_5 = arith.constant 0 : index
    %get3A_6 = arith.constant 0 : index
    %get3A_7 = vector.load %arg3[%get3A_5, %get3A_6] : memref<2000x1xf32, #tpu.memory_space<vmem>>, vector<2000x1xf32>
    %mul3A = vector.broadcast %get3A_7 : vector<2000x1xf32> to vector<2000x128xf32>
    %mul3A_8 = arith.mulf %add3A, %mul3A : vector<2000x128xf32>
    %get3A_9 = arith.constant 0 : index
    %get3A_10 = vector.load %arg4[%get3A_9] : memref<128xf32, #tpu.memory_space<vmem>>, vector<128xf32>
    %broadcast_in_dim3A = vector.shape_cast %get3A_10 : vector<128xf32> to vector<1x128xf32>
    %add3A_11 = vector.broadcast %broadcast_in_dim3A : vector<1x128xf32> to vector<2000x128xf32>
    %add3A_12 = arith.addf %mul3A_8, %add3A_11 : vector<2000x128xf32>
    %get3A_13 = arith.constant 0 : index
    %get3A_14 = arith.constant 0 : index
    %get3A_15 = vector.load %arg6[%get3A_13, %get3A_14] : memref<256x128xf32, #tpu.memory_space<vmem>>, vector<256x128xf32>
    %get3A_16 = arith.constant 0 : index
    %get3A_17 = arith.constant 0 : index
    %get3A_18 = vector.load %arg8[%get3A_16, %get3A_17] : memref<1x1xf32, #tpu.memory_space<vmem>>, vector<1x1xf32>
    %jit3A = arith.constant 0.000000e+00 : f32
    %jit3A_19 = arith.constant 1.000000e+00 : f32
    %max3A = vector.broadcast %jit3A : f32 to vector<1x1xf32>
    %max3A_20 = arith.maximumf %max3A, %get3A_18 : vector<1x1xf32>
    %min3A = vector.broadcast %jit3A_19 : f32 to vector<1x1xf32>
    %min3A_21 = arith.minimumf %min3A, %max3A_20 : vector<1x1xf32>
    %slice3A = vector.extract_strided_slice %get3A_15 {offsets = [0, 0], sizes = [128, 128], strides = [1, 1]} : vector<256x128xf32> to vector<128x128xf32>
    %dot_general3A = arith.constant dense<0.000000e+00> : vector<2000x128xf32>
    %dot_general3A_22 = tpu.matmul %add3A_12, %slice3A, %dot_general3A {dimension_numbers = #tpu.dot_dimension_numbers<[1], [0], [0], [1], [0, 0, 1, 1], [], []>, precision = #tpu.contract_precision<fp32>, transpose_lhs_hint = false} : vector<2000x128xf32>, vector<128x128xf32>, vector<2000x128xf32> -> vector<2000x128xf32>
    %get3A_23 = arith.constant 0 : index
    %get3A_24 = arith.constant 0 : index
    %get3A_25 = vector.load %arg5[%get3A_23, %get3A_24] : memref<2000x128xf32, #tpu.memory_space<vmem>>, vector<2000x128xf32>
    %slice3A_26 = vector.extract_strided_slice %get3A_15 {offsets = [128, 0], sizes = [128, 128], strides = [1, 1]} : vector<256x128xf32> to vector<128x128xf32>
    %dot_general3A_27 = arith.constant dense<0.000000e+00> : vector<2000x128xf32>
    %dot_general3A_28 = tpu.matmul %get3A_25, %slice3A_26, %dot_general3A_27 {dimension_numbers = #tpu.dot_dimension_numbers<[1], [0], [0], [1], [0, 0, 1, 1], [], []>, precision = #tpu.contract_precision<fp32>, transpose_lhs_hint = false} : vector<2000x128xf32>, vector<128x128xf32>, vector<2000x128xf32> -> vector<2000x128xf32>
    %mul3A_29 = vector.broadcast %min3A_21 : vector<1x1xf32> to vector<2000x128xf32>
    %mul3A_30 = arith.mulf %mul3A_29, %dot_general3A_22 : vector<2000x128xf32>
    %sub3A = arith.constant 1.000000e+00 : f32
    %sub3A_31 = vector.broadcast %sub3A : f32 to vector<1x1xf32>
    %sub3A_32 = arith.subf %sub3A_31, %min3A_21 : vector<1x1xf32>
    %mul3A_33 = vector.broadcast %sub3A_32 : vector<1x1xf32> to vector<2000x128xf32>
    %mul3A_34 = arith.mulf %mul3A_33, %dot_general3A_28 : vector<2000x128xf32>
    %add3A_35 = arith.addf %mul3A_30, %mul3A_34 : vector<2000x128xf32>
    %get3A_36 = arith.constant 0 : index
    %get3A_37 = vector.load %arg7[%get3A_36] : memref<128xf32, #tpu.memory_space<vmem>>, vector<128xf32>
    %broadcast_in_dim3A_38 = vector.shape_cast %get3A_37 : vector<128xf32> to vector<1x128xf32>
    %add3A_39 = vector.broadcast %broadcast_in_dim3A_38 : vector<1x128xf32> to vector<2000x128xf32>
    %add3A_40 = arith.addf %add3A_35, %add3A_39 : vector<2000x128xf32>
    %swap3A = arith.constant 0 : index
    %swap3A_41 = arith.constant 0 : index
    %swap3A_42 = vector.load %arg9[%swap3A, %swap3A_41] : memref<2000x128xf32, #tpu.memory_space<vmem>>, vector<2000x128xf32>
    tpu.vector_store %arg9[%swap3A, %swap3A_41], %add3A_40 {strides = array<i32>} : memref<2000x128xf32, #tpu.memory_space<vmem>>, vector<2000x128xf32>,
    return
  }
  func.func @transform_0(%arg0: i32) -> (i32, i32) {
    %c0_i32 = arith.constant 0 : i32
    %c0_i32_0 = arith.constant 0 : i32
    return %arg0, %c0_i32 : i32, i32
  }
  func.func @transform_1(%arg0: i32) -> (i32, i32) {
    %c0_i32 = arith.constant 0 : i32
    %c0_i32_0 = arith.constant 0 : i32
    return %arg0, %c0_i32 : i32, i32
  }
  func.func @transform_2(%arg0: i32) -> (i32, i32) {
    %c0_i32 = arith.constant 0 : i32
    %c0_i32_0 = arith.constant 0 : i32
    return %arg0, %c0_i32 : i32, i32
  }
  func.func @transform_3(%arg0: i32) -> i32 {
    %c0_i32 = arith.constant 0 : i32
    %c0_i32_0 = arith.constant 0 : i32
    return %c0_i32 : i32
  }
  func.func @transform_4(%arg0: i32) -> (i32, i32) {
    %c0_i32 = arith.constant 0 : i32
    %c0_i32_0 = arith.constant 0 : i32
    return %arg0, %c0_i32 : i32, i32
  }
  func.func @transform_5(%arg0: i32) -> (i32, i32) {
    %c0_i32 = arith.constant 0 : i32
    %c0_i32_0 = arith.constant 0 : i32
    %c0_i32_1 = arith.constant 0 : i32
    return %c0_i32, %c0_i32_0 : i32, i32
  }
  func.func @transform_6(%arg0: i32) -> i32 {
    %c0_i32 = arith.constant 0 : i32
    %c0_i32_0 = arith.constant 0 : i32
    return %c0_i32 : i32
  }
  func.func @transform_7(%arg0: i32) -> (i32, i32) {
    %c0_i32 = arith.constant 0 : i32
    %c0_i32_0 = arith.constant 0 : i32
    %c0_i32_1 = arith.constant 0 : i32
    return %c0_i32, %c0_i32_0 : i32, i32
  }
  func.func @transform_8(%arg0: i32) -> (i32, i32) {
    %c0_i32 = arith.constant 0 : i32
    %c0_i32_0 = arith.constant 0 : i32
    return %arg0, %c0_i32 : i32, i32
  }
}

</mosaic_0001>

<sc_bundles>
// kernel: kernel.11.cloned.1.call-start
scs
__scs_entry_jumppad:
0x0: {  	(pc) =	sbr.rel $0x88, $3  }
0x1: {  	(tag) =	ssettag $0x0;
	lr =	simm.s32 $0x1  }
0x2: {  	[smem:$0x3F94] =	sst lr;
	_ =	strace $0xD0000000  }
0x3: {  	_ = 	snop  }
0x4: {  	_ = 	snop  }
0x5: {  	_ = 	snop  }
0x6: {  	_ = 	snop  }
0x7: {  	_ = 	snop  }
__scs_overlays_trampoline_lowered:
0x8: {  	[smem:$0x3FA3] =	sst s0  }
0x9: {  	[smem:$0x3FA4] =	sst s1  }
0xa: {  	[smem:$0x3FA5] =	sst s2  }
0xb: {  	[smem:$0x3FA6] =	sst s3  }
0xc: {  	[smem:$0x3FA7] =	sst s4  }
0xd: {  	[smem:$0x3FA8] =	sst s5  }
0xe: {  	[smem:$0x3FA9] =	sst s6  }
0xf: {  	[smem:$0x3FAA] =	sst s7  }
0x10: {  	[smem:$0x3FAB] =	sst s8  }
0x11: {  	[smem:$0x3FAC] =	sst s9;
	s0 =	simm.s32 @!p0 $0x0  }
0x12: {  	s1 =	sld [smem:$0x3F92];
	s0 =	simm.s32 @p0 $0x1  }
0x13: {  	[smem:$0x3FAD] =	sst s0;
	s0 =	simm.s32 @!p1 $0x0  }
0x14: {  	s2 =	sld [smem:$0x3F91];
	s0 =	simm.s32 @p1 $0x1  }
0x15: {  	[smem:$0x3FAE] =	sst s0;
	s0 =	simm.s32 @!p2 $0x0  }
0x16: {  	s3 =	sld [smem:$0x3FDB];
	s0 =	simm.s32 @p2 $0x1  }
0x17: {  	s4 =	simm.s32 $0x1BF5;
	[smem:$0x3FB0] =	sst s0  }
0x18: {  	s0 =	sld [smem:$0x3F93];
	_ =	swait.ge [sflag:s4], $0x0  }
0x19: {  	s7 =	sld [smem:$0x3F94]  }
0x1a: {  	s8 =	sadd.s32 $0xFFFFE003, lr  }
0x1b: {  	s9 =	sadd.s32 $0xFFFFFEF7, lr;
	s5 =	simm.s32 $0xFFFFFFFF;
	p2 =	slt.u32 s8, $0xFFFFF086  }
0x1c: {  	p1 =	slt.u32 s9, $0xF7A;
	s5 =	simm.s32 @!p2 $0x0  }
0x1d: {  	s5 =	simm.s32 @p1 $0x1;
	p0 =	seq.s32 s7, s2  }
0x1e: {  	s7 =	smul.u32 @!p0 $0xF7A, s2;
	p2 =	seq.s32 @!p0 s5, $0x0  }
0x1f: {  	s9 =	smul.u32 $0xF7A, s1;
	s8 =	simm.s32 @!p0 $0x1BF5;
	p2 =	por !p2, p0  }
0x20: {  	[sflag:s8] =	ssyncset.s32 @!p0 $0xFFFFF086;
	s6 =	sadd.s32 @!p0 s3, s7;
	s7 =	simm.s32 @!p0 $0x108  }
0x21: {  	s3 =	sadd.s32 s3, s9;
	s6 =	sadd.s32 @!p0 $0x88, s6;
	s7 =	simm.s32 @p2 $0x1082  }
0x22: {  	[simem:s7], [sflag:s8] =	dma.local @!p0 [hbm:s6], $0xF7A  }
0x23: {  	s9 =	sor.u32 $0xD0000000, s2;
	s6 =	simm.s32 $0x108;
	_ =	swait.ge @!p0 [sflag:s8], $0x0  }
0x24: {  	s3 =	sadd.s32 $0x88, s3;
	s6 =	simm.s32 @!p1 $0x1082;
	[sflag:s4] =	ssyncset.s32 $0xFFFFF086  }
0x25: {  	[simem:s6], [sflag:s4] =	dma.local [hbm:s3], $0xF7A  }
0x26: {  	[smem:$0x3F94] =	sst s1;
	(tag) =	ssettag s2;
	_ =	strace s9  }
0x27: {  	s1 =	sld [smem:$0x3FA4]  }
0x28: {  	s2 =	sld [smem:$0x3FA5]  }
0x29: {  	s4 =	sld [smem:$0x3FA7]  }
0x2a: {  	p0 =	seq.s32 s5, $0x0;
	s5 =	sld [smem:$0x3FA8]  }
0x2b: {  	s6 =	sld [smem:$0x3FA9]  }
0x2c: {  	s7 =	sld [smem:$0x3FAA]  }
0x2d: {  	s3 =	simm.s32 $0x108;
	s8 =	sld [smem:$0x3FAB]  }
0x2e: {  	s3 =	simm.s32 @!p0 $0x1082;
	s9 =	sld [smem:$0x3FAC]  }
0x2f: {  	lr =	sadd.s32 s0, s3;
	s0 =	sld [smem:$0x3FA3]  }
0x30: {  	s3 =	sld [smem:$0x3FA6]  }
0x31: {  	[smem:$0x3FAF] =	sst s10  }
0x32: {  	s10 =	sld [smem:$0x3FAD];
	_ =	sdelay $0x3  }
0x33: {  	p0 =	seq.s32 s10, $0x1;
	s10 =	sld [smem:$0x3FAF];
	_ =	sdelay $0x3  }
0x34: {  	[smem:$0x3FAF] =	sst s10  }
0x35: {  	s10 =	sld [smem:$0x3FAE];
	_ =	sdelay $0x3  }
0x36: {  	p1 =	seq.s32 s10, $0x1;
	s10 =	sld [smem:$0x3FAF];
	_ =	sdelay $0x3  }
0x37: {  	[smem:$0x3FAF] =	sst s10  }
0x38: {  	s10 =	sld [smem:$0x3FB0]  }
0x39: {  	_ = 	snop;
	(pc) =	sbr.ind lr, $3  }
0x3a: {  	_ = 	snop  }
0x3b: {  	_ = 	snop  }
0x3c: {  	p2 =	seq.s32 s10, $0x1;
	s10 =	sld [smem:$0x3FAF]  }
0x3d: {  	_ =	shalt  }
0x3e: {  	_ =	shalt  }
0x3f: {  	_ =	shalt  }
0x40: {  	_ =	shalt  }
0x41: {  	_ =	shalt  }
0x42: {  	_ =	shalt  }
0x43: {  	_ =	shalt  }
0x44: {  	_ =	shalt  }
0x45: {  	_ =	shalt  }
0x46: {  	_ =	shalt  }
0x47: {  	_ =	shalt  }
0x48: {  	_ =	shalt  }
0x49: {  	_ =	shalt  }
0x4a: {  	_ =	shalt  }
0x4b: {  	_ =	shalt  }
0x4c: {  	_ =	shalt  }
0x4d: {  	_ =	shalt  }
0x4e: {  	_ =	shalt  }
0x4f: {  	_ =	shalt  }
0x50: {  	_ =	shalt  }
0x51: {  	_ =	shalt  }
0x52: {  	_ =	shalt  }
0x53: {  	_ =	shalt  }
0x54: {  	_ =	shalt  }
0x55: {  	_ =	shalt  }
0x56: {  	_ =	shalt  }
0x57: {  	_ =	shalt  }
0x58: {  	_ =	shalt  }
0x59: {  	_ =	shalt  }
0x5a: {  	_ =	shalt  }
0x5b: {  	_ =	shalt  }
0x5c: {  	_ =	shalt  }
0x5d: {  	_ =	shalt  }
0x5e: {  	_ =	shalt  }
0x5f: {  	_ =	shalt  }
0x60: {  	_ =	shalt  }
0x61: {  	_ =	shalt  }
0x62: {  	_ =	shalt  }
0x63: {  	_ =	shalt  }
0x64: {  	_ =	shalt  }
0x65: {  	_ =	shalt  }
0x66: {  	_ =	shalt  }
0x67: {  	_ =	shalt  }
0x68: {  	_ =	shalt  }
0x69: {  	_ =	shalt  }
0x6a: {  	_ =	shalt  }
0x6b: {  	_ =	shalt  }
0x6c: {  	_ =	shalt  }
0x6d: {  	_ =	shalt  }
0x6e: {  	_ =	shalt  }
0x6f: {  	_ =	shalt  }
0x70: {  	_ =	shalt  }
0x71: {  	_ =	shalt  }
0x72: {  	_ =	shalt  }
0x73: {  	_ =	shalt  }
0x74: {  	_ =	shalt  }
0x75: {  	_ =	shalt  }
0x76: {  	_ =	shalt  }
0x77: {  	_ =	shalt  }
0x78: {  	_ =	shalt  }
0x79: {  	_ =	shalt  }
0x7a: {  	_ =	shalt  }
0x7b: {  	_ =	shalt  }
0x7c: {  	_ =	shalt  }
0x7d: {  	_ =	shalt  }
0x7e: {  	_ =	shalt  }
0x7f: {  	_ =	shalt  }
0x80: {  	_ =	shalt  }
0x81: {  	_ =	shalt  }
0x82: {  	_ =	shalt  }
0x83: {  	_ =	shalt  }
0x84: {  	_ =	shalt  }
0x85: {  	_ =	shalt  }
0x86: {  	_ =	shalt  }
0x87: {  	_ =	shalt  }
.Lfunc_end0:
.L_simem_size_0:
called_computation.1_lowered:
.L_overlay_start_0:
0x88: {  	s2 =	sld [smem:$0x3FD9]  }
0x89: {  	s3 =	sld [smem:$0x3FFE];
	_ =	sdelay $0x1  }
0x8a: {  	s1 =	srdreg.scid  }
0x8b: {  	s0 =	sand.u32 $0x1, s1  }
0x8c: {  	s17 =	sshll.u32 s0, $0xA;
	s2 =	sadd.s32 s3, s2  }
0x8d: {  	s2 =	sadd.s32 s2, s17  }
0x8e: {  	[smem:$0x3FBB] =	sst s2  }
0x8f: {  	_ = 	snop  }
0x90: {  	s2 =	sld [smem:$0x3FD0];
	(tm) =	ssettm $0x1  }
0x91: {  	s18 =	sld [smem:$0x3FFB];
	_ =	sdelay $0x3  }
0x92: {  	_ =	strace s18  }
0x93: {  	s3 =	sld [smem:$0x3FFC];
	_ =	sdelay $0x3  }
0x94: {  	_ =	strace s3  }
0x95: {  	s3 =	sld [smem:$0x3FFD];
	_ =	sdelay $0x3  }
0x96: {  	_ =	strace s3  }
0x97: {  	_ =	strace $0x8FFFFFFF  }
0x98: {  	s19 =	sld [smem:$0x3FDB];
	_ =	sdelay $0x1  }
0x99: {  	s4 =	simm.s32 $_scs_section_size  }
0x9a: {  	s5 =	simm.s32 $_size__tile_overlayer_lowered;
	s6 =	simm.s32 $_tile_overlayer_lowered  }
0x9b: {  	s22 =	simm.s32 $0x1BFF;
	s21 =	sshll.u32 s6, $0x1;
	s3 =	sadd.s32 s4, s19  }
0x9c: {  	s7 =	simm.s32 $0x0;
	s20 =	sshll.u32 s5, $0x1;
	s5 =	sadd.s32 s21, s3  }
0x9d: {  	[timem:s7], [sflag:s22] =	dma.local [hbm:s5], s20  }
0x9e: {  	_ =	swait.ge [sflag:s22], s20  }
0x9f: {  	s4 =	ssub.s32 $0x0, s20;
	[sflag:s22] =	ssyncset.done $0x0  }
0xa0: {  	[sflag:s22] =	ssyncadd.s32 s4;
	_ =	sdelay $0x1  }
0xa1: {  	s23 =	simm.s32 $0x1B8B  }
0xa2: {  	_ =	swait.ge [sflag:s23], $0x1  }
0xa3: {  	[sflag:s23] =	ssyncset.done $0x0  }
0xa4: {  	s25 =	simm.s32 $0x1B8E;
	s24 =	sld [smem:$0x3FFE];
	[sflag:s23] =	ssyncadd.s32 $0xFFFFFFFF  }
0xa5: {  	s26 =	simm.s32 $execute0_lowered;
	[smem:$0x3FD2] =	sst s25  }
0xa6: {  	s5 =	sshll.u32 s26, $0x1;
	_ =	strace $0x80000049;
	[dreg:$0x1] =	wrdreg $0xFFFFFFFF  }
0xa7: {  	s28 =	simm.s32 $_size_execute0_lowered;
	s3 =	sadd.s32 s3, s5;
	[dreg:$0x0] =	wrdreg $0x0  }
0xa8: {  	s5 =	sshll.u32 s28, $0x1;
	[dreg:$0x2] =	wrdreg s3  }
0xa9: {  	[dreg:$0x3] =	wrdreg s5  }
0xaa: {  	[dreg:$0x4] =	wrdreg $0xC0  }
0xab: {  	_ =	task [dreg:s7], $0x5FFFF  }
0xac: {  	[dreg:$0x1] =	wrdreg $0xFFFFFFFF  }
0xad: {  	[dreg:$0x0] =	wrdreg $0x60  }
0xae: {  	[dreg:$0x2] =	wrdreg s2  }
0xaf: {  	[dreg:$0x3] =	wrdreg s24  }
0xb0: {  	[dreg:$0x4] =	wrdreg $0x42000  }
0xb1: {  	[dreg:$0x5] =	wrdreg $0x9  }
0xb2: {  	_ =	task.clear_ibuf [dreg:s7], $0x6FFFF;
	_ =	strace $0x90000049  }
0xb3: {  	s29 =	simm.s32 $0x9;
	_ =	strace $0x8000004B  }
0xb4: {  	_ =	swait.ge [sflag:s29], $0x1  }
0xb5: {  	[sflag:s29] =	ssyncadd.s32 $0xFFFFFFFF  }
0xb6: {  	_ =	strace $0x9000004B  }
0xb7: {  	_ =	sfence  }
0xb8: {  	s30 =	sld [smem:$0x0];
	_ =	sdelay $0x2  }
0xb9: {  	s31 =	sshll.u32 s1, $0xD;
	s1 =	sshrl.u32 s1, $0x2  }
0xba: {  	s3 =	sand.u32 $0x4000, s31;
	s1 =	sadd.s32 s1, s30  }
0xbb: {  	s0 =	sor.u32 s3, s0;
	s1 =	sshll.u32 s1, $0x11  }
0xbc: {  	s0 =	sor.u32 s1, s0  }
0xbd: {  	s0 =	sadd.s32 $0x8F2B, s0  }
0xbe: {  	[sflag:s0] =	ssyncadd.remote.s32 $0x1  }
0xbf: {  	_ =	sfence.sel $0xFFFF  }
0xc0: {  	[dreg:$0x0] =	wrdreg $0xFFFFFFFF;
	(pc) =	sbr.abs _section_cstart, $3  }
0xc1: {  	[dreg:$0x1] =	wrdreg $0xFFFFFFFF  }
0xc2: {  	_ =	task.clear_ibuf [dreg:s7], $0x2FFFF;
	_ =	strace $0x9FFFFFFF  }
0xc3: {  	(tm) =	ssettm $0x7FFFFFFF  }
tec
execute0_lowered:
.L_overlay_start_1:
0x0: {  	(tag) =	ssettag $0x1  }
0x1: {  	s1 =	rddreg [dreg:$0x0]  }
0x2: {  	s2 =	rddreg [dreg:$0x1];
	s0 =	stileid.u32  }
0x3: {  	s4 =	srdreg.scid;
	s3 =	rddreg [dreg:$0x2];
	s28 =	simm.s32 $0x180  }
0x4: {  	s29 =	simm.s32 $0x10;
	s30 =	simm.s32 $0x0;
	s8 =	smul.u32 $0x2800, s0  }
0x5: {  	s14 =	sand.u32 $0x1, s4;
	s4 =	simm.s32 $0x0;
	s6 =	smul.u32 $0x14000, s0  }
0x6: {  	s15 =	sadd.s32 $0x2C00, s2;
	s16 =	sadd.s32 $0xCA00, s2;
	s9 =	smul.u32 $0x50000, s0  }
0x7: {  	s22 =	sshll.u32 s0, $0x1;
	s19 =	sadd.s32 $0x12C000, s3;
	s17 =	smul.u32 $0x4E20, s0  }
0x8: {  	s5 =	smul.u32 $0x140000, s14;
	[smem:$0x7FF] =	sst s4;
	s23 =	ssub.s32 $0x2, s14  }
0x9: {  	s18 =	smul.u32 $0x2710, s14;
	p3 =	sne.s32 s14, $0x0;
	_ =	strace $0x8000004A  }
0xa: {  	s7 =	sadd.s32 s8, s2;
	s10 =	sshrl.u32 s23, $0x1;
	s9 =	sshrl.u32 s9, $0x2  }
0xb: {  	s8 =	sadd.s32 s1, s8;
	p1 =	seq.s32 @p3 s0, $0xF;
	p4 =	seq.s32 @!p3 s0, $0xF  }
0xc: {  	s5 =	sadd.s32 s6, s5;
	s6 =	sor.u32 s14, s22;
	s13 =	ssub.s32 s23, s10  }
0xd: {  	s24 =	sadd.s32 $0x16800, s7;
	s31 =	sadd.s32 s18, s17;
	p0 =	por !p1, !p3  }
0xe: {  	p1 =	por p1, !p3;
	p2 =	por p4, p3;
	p3 =	por !p4, p3  }
0xf: {  	s22 =	simm.s32 $0x2;
	s23 =	simm.s32 $0x80;
	s5 =	sshrl.u32 s5, $0x3  }
0x10: {  	s11 =	smul.u32 $0x2710, s6;
	[dreg:$0x4] =	wrdreg s24;
	s13 =	smax.u32 s13, $0x1  }
0x11: {  	s24 =	simm.s32 $0x200;
	s12 =	sadd.s32 s5, s2;
	s5 =	sadd.s32 s9, s3  }
0x12: {  	s2 =	sadd.s32 $0x3C000, s2;
	s9 =	sadd.s32 $0x25800, s1;
	s25 =	sshrl.u32 s11, $0x3  }
0x13: {  	[dreg:$0x5] =	wrdreg s2;
	s12 =	sadd.s32 $0x3DA00, s12;
	s2 =	sshrl.u32 s31, $0x3  }
0x14: {  	s18 =	sshrl.u32 @!p1 s5, $0x3;
	s21 =	sshrl.u32 @!p2 s5, $0x3;
	s26 =	sadd.s32 $0x4E0, s25  }
0x15: {  	s14 =	sadd.s32 s2, s16;
	s25 =	simm.s32 $0x1;
	s10 =	sadd.s32 s15, s26  }
0x16: {  	s11 =	sadd.s32 s16, s26;
	s15 =	sadd.s32 s2, s15;
	s2 =	sshll.u32 @!p1 s0, $0x6  }
0x17: {  	s16 =	sshrl.u32 @!p0 s19, $0x3;
	s17 =	sor.u32 @!p1 $0x1C02, s2;
	s2 =	sshll.u32 @!p2 s0, $0x6  }
0x18: {  	s19 =	sshrl.u32 @!p3 s19, $0x3;
	s26 =	simm.s32 $0x100;
	s20 =	sor.u32 @!p2 $0x1C02, s2  }
.LBB2_1:
0x19: {  	s2 =	simm.s32 @!p0 $0x1FC2;
	s0 =	rddreg [dreg:$0x5]  }
0x1a: {  	[spmem:s16], [sflag:s2] =	dma.local @!p0 [hbm:s0], $0x1900  }
0x1b: {  	s2 =	simm.s32 @!p0 $0x2  }
0x1c: {  	_ =	swait.ge @!p0 [sflag:s2], $0x1900  }
0x1d: {  	[sflag:s2] =	ssyncset.done @!p0 $0x0  }
0x1e: {  	s0 =	rddreg [dreg:$0x4];
	[sflag:s2] =	ssyncadd.s32 @!p0 $0xFFFFE700;
	s2 =	simm.s32 @!p1 $0x2  }
0x1f: {  	[spmem:s18], [sflag:s17] =	dma.local @!p1 [hbm:s0], $0x2800  }
0x20: {  	_ =	swait.ge @!p1 [sflag:s2], $0x2800  }
0x21: {  	[sflag:s2] =	ssyncset.done @!p1 $0x0  }
0x22: {  	[sflag:s2] =	ssyncadd.s32 @!p1 $0xFFFFD800;
	s2 =	simm.s32 @!p3 $0x1FC2  }
0x23: {  	[spmem:s19], [sflag:s2] =	dma.local @!p3 [hbm:s9], $0x1900  }
0x24: {  	s2 =	simm.s32 @!p3 $0x2  }
0x25: {  	_ =	swait.ge @!p3 [sflag:s2], $0x1900  }
0x26: {  	[sflag:s2] =	ssyncset.done @!p3 $0x0  }
0x27: {  	[sflag:s2] =	ssyncadd.s32 @!p3 $0xFFFFE700;
	s2 =	simm.s32 @!p2 $0x2  }
0x28: {  	[spmem:s21], [sflag:s20] =	dma.local @!p2 [hbm:s8], $0x2800  }
0x29: {  	_ =	swait.ge @!p2 [sflag:s2], $0x2800  }
0x2a: {  	[sflag:s2] =	ssyncset.done @!p2 $0x0  }
0x2b: {  	[sflag:s2] =	ssyncadd.s32 @!p2 $0xFFFFD800  }
0x2c: {  	s6 =	sadd.s32 $0x0, s15;
	[bflag:$0x0] =	sbarrier.arrive $0xFFFF  }
0x2d: {  	[tilespmem:s4], [sflag:$0x2] =	stream.linear.gather [hbm4b:s6+s4], $0x80, $0x38;
	[tilespmem:$0x18200] =	vst v63  }
0x2e: {  	_ =	swait.ge [sflag:s22], $0x80  }
0x2f: {  	[sflag:s22] =	ssyncset.done $0x0  }
0x30: {  	s7 =	sadd.s32 $0x0, s14;
	[sflag:s22] =	ssyncadd.s32 $0xFFFFFF80  }
0x31: {  	[tilespmem:s23], [sflag:$0x2] =	stream.linear.gather [hbm4b:s7+s4], $0x80, $0x38;
	[tilespmem:$0x18200] =	vst v63  }
0x32: {  	_ =	swait.ge [sflag:s22], $0x80  }
0x33: {  	[sflag:s22] =	ssyncset.done $0x0  }
0x34: {  	[sflag:s22] =	ssyncadd.s32 $0xFFFFFF80  }
0x35: {  	[tilespmem:s24], [sflag:$0x1] =	stream.indirect.gather [hbm4b:s1+s23], $0x80, s4, s23, $0xb8;
	[tilespmem:$0x18200] =	vst v63  }
0x36: {  	_ =	swait.ge [sflag:s25], $0x4000  }
0x37: {  	[sflag:s25] =	ssyncset.done $0x0  }
0x38: {  	[sflag:s25] =	ssyncadd.s32 $0xFFFFC000  }
0x39: {  	[spmem:s3] =	stream.indirect.scatter.add.f32 [tilespmem:s24], [sflag:$0x2], $0x80, s23, s23, $0xb8;
	[tilespmem:$0x18200] =	vst v63  }
0x3a: {  	_ =	swait.ge [sflag:s22], $0x4000  }
0x3b: {  	s31 =	simm.s32 $0x10;
	s2 =	simm.s32 $0x20;
	[sflag:s22] =	ssyncset.done $0x0  }
.LBB2_2:
0x3c: {  	s0 =	sadd.s32 s31, s15  }
0x3d: {  	[sflag:s22] =	ssyncadd.s32 $0xFFFFC000;
	s6 =	smov.u32 s2;
	s7 =	sadd.s32 $0x10, s2  }
0x3e: {  	[tilespmem:s4], [sflag:$0x2] =	stream.linear.gather [hbm4b:s0+s4], $0x80, $0x38;
	[tilespmem:$0x18200] =	vst v63  }
0x3f: {  	p4 =	sne.s32 s2, $0x4D0;
	_ =	swait.ge [sflag:s22], $0x80  }
0x40: {  	[sflag:s22] =	ssyncset.done $0x0  }
0x41: {  	s0 =	sadd.s32 s31, s14;
	s31 =	smov.u32 s6;
	[sflag:s22] =	ssyncadd.s32 $0xFFFFFF80  }
0x42: {  	[tilespmem:s23], [sflag:$0x2] =	stream.linear.gather [hbm4b:s0+s4], $0x80, $0x38;
	[tilespmem:$0x18200] =	vst v63  }
0x43: {  	_ =	swait.ge [sflag:s22], $0x80  }
0x44: {  	[sflag:s22] =	ssyncset.done $0x0  }
0x45: {  	[sflag:s22] =	ssyncadd.s32 $0xFFFFFF80  }
0x46: {  	[tilespmem:s24], [sflag:$0x1] =	stream.indirect.gather [hbm4b:s1+s23], $0x80, s4, s23, $0xb8;
	[tilespmem:$0x18200] =	vst v63  }
0x47: {  	_ =	swait.ge [sflag:s25], $0x4000  }
.Ltmp0:
0x48: {  	[sflag:s25] =	ssyncset.done $0x0;
	(pc) =	sbr.rel @p4 .LBB2_2-.Ltmp0, $4  }
0x49: {  	[sflag:s25] =	ssyncadd.s32 $0xFFFFC000  }
0x4a: {  	[spmem:s3] =	stream.indirect.scatter.add.f32 [tilespmem:s24], [sflag:$0x2], $0x80, s23, s23, $0xb8;
	[tilespmem:$0x18200] =	vst v63  }
0x4b: {  	_ =	swait.ge [sflag:s22], $0x4000  }
0x4c: {  	s2 =	smov.u32 s7;
	[sflag:s22] =	ssyncset.done $0x0  }
0x4d: {  	s0 =	sadd.s32 s31, s15;
	[sflag:s22] =	ssyncadd.s32 $0xFFFFC000  }
0x4e: {  	[tilespmem:s4], [sflag:$0x2] =	stream.linear.gather [hbm4b:s0+s4], $0x80, $0x38;
	[tilespmem:$0x18200] =	vst v63  }
0x4f: {  	_ =	swait.ge [sflag:s22], $0x80  }
0x50: {  	[sflag:s22] =	ssyncset.done $0x0  }
0x51: {  	s7 =	sadd.s32 s31, s14;
	[sflag:s22] =	ssyncadd.s32 $0xFFFFFF80  }
0x52: {  	[tilespmem:s23], [sflag:$0x2] =	stream.linear.gather [hbm4b:s7+s4], $0x80, $0x38;
	[tilespmem:$0x18200] =	vst v63  }
0x53: {  	_ =	swait.ge [sflag:s22], $0x80  }
0x54: {  	[sflag:s22] =	ssyncset.done $0x0  }
0x55: {  	[sflag:s22] =	ssyncadd.s32 $0xFFFFFF80  }
0x56: {  	[tilespmem:s24], [sflag:$0x1] =	stream.indirect.gather [hbm4b:s1+s23], $0x80, s4, s23, $0xb8;
	[tilespmem:$0x18200] =	vst v63  }
0x57: {  	_ =	swait.ge [sflag:s25], $0x4000  }
0x58: {  	[sflag:s25] =	ssyncset.done $0x0  }
0x59: {  	[sflag:s25] =	ssyncadd.s32 $0xFFFFC000  }
0x5a: {  	[spmem:s3] =	stream.indirect.scatter.add.f32 [tilespmem:s24], [sflag:$0x2], $0x80, s23, s23, $0xb8;
	[tilespmem:$0x18200] =	vst v63  }
0x5b: {  	_ =	swait.ge [sflag:s22], $0x4000  }
0x5c: {  	[sflag:s22] =	ssyncset.done $0x0  }
0x5d: {  	[sflag:s22] =	ssyncadd.s32 $0xFFFFC000  }
0x5e: {  	[tilespmem:s26], [sflag:$0x2] =	stream.linear.gather [hbm4b:s10+s4], $0x10, $0x38;
	[tilespmem:$0x18200] =	vst v63  }
0x5f: {  	_ =	swait.ge [sflag:s22], $0x10  }
0x60: {  	[sflag:s22] =	ssyncset.done $0x0  }
0x61: {  	[sflag:s22] =	ssyncadd.s32 $0xFFFFFFF0  }
0x62: {  	[tilespmem:s28], [sflag:$0x2] =	stream.linear.gather [hbm4b:s11+s4], $0x10, $0x38;
	[tilespmem:$0x18200] =	vst v63  }
0x63: {  	_ =	swait.ge [sflag:s22], $0x10  }
0x64: {  	[sflag:s22] =	ssyncset.done $0x0  }
0x65: {  	[sflag:s22] =	ssyncadd.s32 $0xFFFFFFF0  }
0x66: {  	[tilespmem:s24], [sflag:$0x1] =	stream.indirect.gather [hbm4b:s1+s29], $0x80, s26, s29, $0xb8;
	[tilespmem:$0x18200] =	vst v63  }
0x67: {  	_ =	swait.ge [sflag:s25], $0x800  }
0x68: {  	[sflag:s25] =	ssyncset.done $0x0  }
0x69: {  	[sflag:s25] =	ssyncadd.s32 $0xFFFFF800  }
0x6a: {  	[spmem:s3] =	stream.indirect.scatter.add.f32 [tilespmem:s24], [sflag:$0x2], $0x80, s28, s29, $0xb8;
	[tilespmem:$0x18200] =	vst v63  }
0x6b: {  	s31 =	stileid.u32;
	_ =	swait.ge [sflag:s22], $0x800  }
0x6c: {  	s2 =	sshrl.u32 s5, $0x3;
	s30 =	sadd.s32 $0x1, s30;
	[sflag:s22] =	ssyncset.done $0x0  }
0x6d: {  	s0 =	sshll.u32 s31, $0x6;
	p4 =	sne.s32 s30, s13;
	[sflag:s22] =	ssyncadd.s32 $0xFFFFF800  }
.Ltmp1:
0x6e: {  	s0 =	sor.u32 $0x1C02, s0;
	[bflag:$0x0] =	sbarrier.arrive $0xFFFF;
	(pc) =	sbr.rel @p4 .LBB2_1-.Ltmp1, $4  }
0x6f: {  	[hbm:s12], [sflag:s0] =	dma.local [spmem:s2], $0x2800  }
0x70: {  	_ =	swait.ge [sflag:s22], $0x2800  }
0x71: {  	[sflag:s22] =	ssyncset.done $0x0  }
0x72: {  	[sflag:s22] =	ssyncadd.s32 $0xFFFFD800  }
0x73: {  	_ =	sfence.sel $0x180000  }
0x74: {  	[bflag:$0x0] =	sbarrier.arrive $0xFFFF  }
0x75: {  	_ =	strace $0x9000004A  }
0x76: {  	s0 =	stileid.u32;
	[bflag:$0x2] =	sbarrier.arrive $0xFFFF  }
0x77: {  	p0 =	sne.s32 s0, $0x0;
	s0 =	rddreg [dreg:$0x3]  }
0x78: {  	s0 =	sadd.s32 @!p0 $0x100000, s0  }
0x79: {  	[sflag:s0] =	ssyncadd.tile.s32 @!p0 $0x1;
	_ =	shalt  }
.Lfunc_end2:
_tile_overlayer_lowered:
.L_overlay_start_2:
0x7a: {  	(tag) =	ssettag $0x2  }
0x7b: {  	s0 =	rddreg [dreg:$0x0];
	s2 =	stileid.u32  }
0x7c: {  	s1 =	rddreg [dreg:$0x1];
	p0 =	sne.s32 s2, $0x0  }
0x7d: {  	s3 =	rddreg [dreg:$0x2];
	[bflag:$0x3] =	sbarrier.arrive $0xFFFF;
	s2 =	simm.s32 @!p0 $0x1C02  }
0x7e: {  	[timem:s3], [sflag:s2] =	dma.local @!p0 [hbm:s0], s1  }
0x7f: {  	s0 =	simm.s32 @!p0 $0x2  }
0x80: {  	_ =	swait.ge @!p0 [sflag:s0], s1  }
0x81: {  	s1 =	ssub.s32 @!p0 $0x0, s1;
	[sflag:s0] =	ssyncset.done @!p0 $0x0  }
0x82: {  	[sflag:s0] =	ssyncadd.s32 @!p0 s1  }
0x83: {  	[bflag:$0x3] =	sbarrier.arrive $0xFFFF  }
0x84: {  	_ =	shalt  }

// kernel: kernel.14.cloned.1.call-start
scs
__scs_entry_jumppad:
0x0: {  	(pc) =	sbr.rel $0x88, $3  }
0x1: {  	(tag) =	ssettag $0x0;
	lr =	simm.s32 $0x1  }
0x2: {  	[smem:$0x3F94] =	sst lr;
	_ =	strace $0xD0000000  }
0x3: {  	_ = 	snop  }
0x4: {  	_ = 	snop  }
0x5: {  	_ = 	snop  }
0x6: {  	_ = 	snop  }
0x7: {  	_ = 	snop  }
__scs_overlays_trampoline_lowered:
0x8: {  	[smem:$0x3FA3] =	sst s0  }
0x9: {  	[smem:$0x3FA4] =	sst s1  }
0xa: {  	[smem:$0x3FA5] =	sst s2  }
0xb: {  	[smem:$0x3FA6] =	sst s3  }
0xc: {  	[smem:$0x3FA7] =	sst s4  }
0xd: {  	[smem:$0x3FA8] =	sst s5  }
0xe: {  	[smem:$0x3FA9] =	sst s6  }
0xf: {  	[smem:$0x3FAA] =	sst s7  }
0x10: {  	[smem:$0x3FAB] =	sst s8  }
0x11: {  	[smem:$0x3FAC] =	sst s9;
	s0 =	simm.s32 @!p0 $0x0  }
0x12: {  	s1 =	sld [smem:$0x3F92];
	s0 =	simm.s32 @p0 $0x1  }
0x13: {  	[smem:$0x3FAD] =	sst s0;
	s0 =	simm.s32 @!p1 $0x0  }
0x14: {  	s2 =	sld [smem:$0x3F91];
	s0 =	simm.s32 @p1 $0x1  }
0x15: {  	[smem:$0x3FAE] =	sst s0;
	s0 =	simm.s32 @!p2 $0x0  }
0x16: {  	s3 =	sld [smem:$0x3FDB];
	s0 =	simm.s32 @p2 $0x1  }
0x17: {  	s4 =	simm.s32 $0x1BF5;
	[smem:$0x3FB0] =	sst s0  }
0x18: {  	s0 =	sld [smem:$0x3F93];
	_ =	swait.ge [sflag:s4], $0x0  }
0x19: {  	s7 =	sld [smem:$0x3F94]  }
0x1a: {  	s8 =	sadd.s32 $0xFFFFE003, lr  }
0x1b: {  	s9 =	sadd.s32 $0xFFFFFEF7, lr;
	s5 =	simm.s32 $0xFFFFFFFF;
	p2 =	slt.u32 s8, $0xFFFFF086  }
0x1c: {  	p1 =	slt.u32 s9, $0xF7A;
	s5 =	simm.s32 @!p2 $0x0  }
0x1d: {  	s5 =	simm.s32 @p1 $0x1;
	p0 =	seq.s32 s7, s2  }
0x1e: {  	s7 =	smul.u32 @!p0 $0xF7A, s2;
	p2 =	seq.s32 @!p0 s5, $0x0  }
0x1f: {  	s9 =	smul.u32 $0xF7A, s1;
	s8 =	simm.s32 @!p0 $0x1BF5;
	p2 =	por !p2, p0  }
0x20: {  	[sflag:s8] =	ssyncset.s32 @!p0 $0xFFFFF086;
	s6 =	sadd.s32 @!p0 s3, s7;
	s7 =	simm.s32 @!p0 $0x108  }
0x21: {  	s3 =	sadd.s32 s3, s9;
	s6 =	sadd.s32 @!p0 $0x88, s6;
	s7 =	simm.s32 @p2 $0x1082  }
0x22: {  	[simem:s7], [sflag:s8] =	dma.local @!p0 [hbm:s6], $0xF7A  }
0x23: {  	s9 =	sor.u32 $0xD0000000, s2;
	s6 =	simm.s32 $0x108;
	_ =	swait.ge @!p0 [sflag:s8], $0x0  }
0x24: {  	s3 =	sadd.s32 $0x88, s3;
	s6 =	simm.s32 @!p1 $0x1082;
	[sflag:s4] =	ssyncset.s32 $0xFFFFF086  }
0x25: {  	[simem:s6], [sflag:s4] =	dma.local [hbm:s3], $0xF7A  }
0x26: {  	[smem:$0x3F94] =	sst s1;
	(tag) =	ssettag s2;
	_ =	strace s9  }
0x27: {  	s1 =	sld [smem:$0x3FA4]  }
0x28: {  	s2 =	sld [smem:$0x3FA5]  }
0x29: {  	s4 =	sld [smem:$0x3FA7]  }
0x2a: {  	p0 =	seq.s32 s5, $0x0;
	s5 =	sld [smem:$0x3FA8]  }
0x2b: {  	s6 =	sld [smem:$0x3FA9]  }
0x2c: {  	s7 =	sld [smem:$0x3FAA]  }
0x2d: {  	s3 =	simm.s32 $0x108;
	s8 =	sld [smem:$0x3FAB]  }
0x2e: {  	s3 =	simm.s32 @!p0 $0x1082;
	s9 =	sld [smem:$0x3FAC]  }
0x2f: {  	lr =	sadd.s32 s0, s3;
	s0 =	sld [smem:$0x3FA3]  }
0x30: {  	s3 =	sld [smem:$0x3FA6]  }
0x31: {  	[smem:$0x3FAF] =	sst s10  }
0x32: {  	s10 =	sld [smem:$0x3FAD];
	_ =	sdelay $0x3  }
0x33: {  	p0 =	seq.s32 s10, $0x1;
	s10 =	sld [smem:$0x3FAF];
	_ =	sdelay $0x3  }
0x34: {  	[smem:$0x3FAF] =	sst s10  }
0x35: {  	s10 =	sld [smem:$0x3FAE];
	_ =	sdelay $0x3  }
0x36: {  	p1 =	seq.s32 s10, $0x1;
	s10 =	sld [smem:$0x3FAF];
	_ =	sdelay $0x3  }
0x37: {  	[smem:$0x3FAF] =	sst s10  }
0x38: {  	s10 =	sld [smem:$0x3FB0]  }
0x39: {  	_ = 	snop;
	(pc) =	sbr.ind lr, $3  }
0x3a: {  	_ = 	snop  }
0x3b: {  	_ = 	snop  }
0x3c: {  	p2 =	seq.s32 s10, $0x1;
	s10 =	sld [smem:$0x3FAF]  }
0x3d: {  	_ =	shalt  }
0x3e: {  	_ =	shalt  }
0x3f: {  	_ =	shalt  }
0x40: {  	_ =	shalt  }
0x41: {  	_ =	shalt  }
0x42: {  	_ =	shalt  }
0x43: {  	_ =	shalt  }
0x44: {  	_ =	shalt  }
0x45: {  	_ =	shalt  }
0x46: {  	_ =	shalt  }
0x47: {  	_ =	shalt  }
0x48: {  	_ =	shalt  }
0x49: {  	_ =	shalt  }
0x4a: {  	_ =	shalt  }
0x4b: {  	_ =	shalt  }
0x4c: {  	_ =	shalt  }
0x4d: {  	_ =	shalt  }
0x4e: {  	_ =	shalt  }
0x4f: {  	_ =	shalt  }
0x50: {  	_ =	shalt  }
0x51: {  	_ =	shalt  }
0x52: {  	_ =	shalt  }
0x53: {  	_ =	shalt  }
0x54: {  	_ =	shalt  }
0x55: {  	_ =	shalt  }
0x56: {  	_ =	shalt  }
0x57: {  	_ =	shalt  }
0x58: {  	_ =	shalt  }
0x59: {  	_ =	shalt  }
0x5a: {  	_ =	shalt  }
0x5b: {  	_ =	shalt  }
0x5c: {  	_ =	shalt  }
0x5d: {  	_ =	shalt  }
0x5e: {  	_ =	shalt  }
0x5f: {  	_ =	shalt  }
0x60: {  	_ =	shalt  }
0x61: {  	_ =	shalt  }
0x62: {  	_ =	shalt  }
0x63: {  	_ =	shalt  }
0x64: {  	_ =	shalt  }
0x65: {  	_ =	shalt  }
0x66: {  	_ =	shalt  }
0x67: {  	_ =	shalt  }
0x68: {  	_ =	shalt  }
0x69: {  	_ =	shalt  }
0x6a: {  	_ =	shalt  }
0x6b: {  	_ =	shalt  }
0x6c: {  	_ =	shalt  }
0x6d: {  	_ =	shalt  }
0x6e: {  	_ =	shalt  }
0x6f: {  	_ =	shalt  }
0x70: {  	_ =	shalt  }
0x71: {  	_ =	shalt  }
0x72: {  	_ =	shalt  }
0x73: {  	_ =	shalt  }
0x74: {  	_ =	shalt  }
0x75: {  	_ =	shalt  }
0x76: {  	_ =	shalt  }
0x77: {  	_ =	shalt  }
0x78: {  	_ =	shalt  }
0x79: {  	_ =	shalt  }
0x7a: {  	_ =	shalt  }
0x7b: {  	_ =	shalt  }
0x7c: {  	_ =	shalt  }
0x7d: {  	_ =	shalt  }
0x7e: {  	_ =	shalt  }
0x7f: {  	_ =	shalt  }
0x80: {  	_ =	shalt  }
0x81: {  	_ =	shalt  }
0x82: {  	_ =	shalt  }
0x83: {  	_ =	shalt  }
0x84: {  	_ =	shalt  }
0x85: {  	_ =	shalt  }
0x86: {  	_ =	shalt  }
0x87: {  	_ =	shalt  }
.Lfunc_end0:
.L_simem_size_0:
called_computation.2_lowered:
.L_overlay_start_0:
0x88: {  	s2 =	sld [smem:$0x3FD9]  }
0x89: {  	s3 =	sld [smem:$0x3FFE];
	_ =	sdelay $0x1  }
0x8a: {  	s1 =	srdreg.scid  }
0x8b: {  	s0 =	sand.u32 $0x1, s1  }
0x8c: {  	s17 =	sshll.u32 s0, $0xA;
	s2 =	sadd.s32 s3, s2  }
0x8d: {  	s2 =	sadd.s32 s2, s17  }
0x8e: {  	[smem:$0x3FBB] =	sst s2  }
0x8f: {  	_ = 	snop  }
0x90: {  	s2 =	sld [smem:$0x3FD0];
	(tm) =	ssettm $0x1  }
0x91: {  	s18 =	sld [smem:$0x3FFB];
	_ =	sdelay $0x3  }
0x92: {  	_ =	strace s18  }
0x93: {  	s3 =	sld [smem:$0x3FFC];
	_ =	sdelay $0x3  }
0x94: {  	_ =	strace s3  }
0x95: {  	s3 =	sld [smem:$0x3FFD];
	_ =	sdelay $0x3  }
0x96: {  	_ =	strace s3  }
0x97: {  	_ =	strace $0x8FFFFFFF  }
0x98: {  	s19 =	sld [smem:$0x3FDB];
	_ =	sdelay $0x1  }
0x99: {  	s4 =	simm.s32 $_scs_section_size  }
0x9a: {  	s5 =	simm.s32 $_size__tile_overlayer_lowered;
	s6 =	simm.s32 $_tile_overlayer_lowered  }
0x9b: {  	s22 =	simm.s32 $0x1BFF;
	s21 =	sshll.u32 s6, $0x1;
	s3 =	sadd.s32 s4, s19  }
0x9c: {  	s7 =	simm.s32 $0x0;
	s20 =	sshll.u32 s5, $0x1;
	s5 =	sadd.s32 s21, s3  }
0x9d: {  	[timem:s7], [sflag:s22] =	dma.local [hbm:s5], s20  }
0x9e: {  	_ =	swait.ge [sflag:s22], s20  }
0x9f: {  	s4 =	ssub.s32 $0x0, s20;
	[sflag:s22] =	ssyncset.done $0x0  }
0xa0: {  	[sflag:s22] =	ssyncadd.s32 s4;
	_ =	sdelay $0x1  }
0xa1: {  	s23 =	simm.s32 $0x1B8B  }
0xa2: {  	_ =	swait.ge [sflag:s23], $0x1  }
0xa3: {  	[sflag:s23] =	ssyncset.done $0x0  }
0xa4: {  	s25 =	simm.s32 $0x1B8E;
	s24 =	sld [smem:$0x3FFE];
	[sflag:s23] =	ssyncadd.s32 $0xFFFFFFFF  }
0xa5: {  	s26 =	simm.s32 $execute0_lowered;
	[smem:$0x3FD2] =	sst s25  }
0xa6: {  	s5 =	sshll.u32 s26, $0x1;
	_ =	strace $0x8000004C;
	[dreg:$0x1] =	wrdreg $0xFFFFFFFF  }
0xa7: {  	s28 =	simm.s32 $_size_execute0_lowered;
	s3 =	sadd.s32 s3, s5;
	[dreg:$0x0] =	wrdreg $0x0  }
0xa8: {  	s5 =	sshll.u32 s28, $0x1;
	[dreg:$0x2] =	wrdreg s3  }
0xa9: {  	[dreg:$0x3] =	wrdreg s5  }
0xaa: {  	[dreg:$0x4] =	wrdreg $0xC0  }
0xab: {  	_ =	task [dreg:s7], $0x5FFFF  }
0xac: {  	[dreg:$0x1] =	wrdreg $0xFFFFFFFF  }
0xad: {  	[dreg:$0x0] =	wrdreg $0x60  }
0xae: {  	[dreg:$0x2] =	wrdreg s2  }
0xaf: {  	[dreg:$0x3] =	wrdreg s24  }
0xb0: {  	[dreg:$0x4] =	wrdreg $0x42000  }
0xb1: {  	[dreg:$0x5] =	wrdreg $0x9  }
0xb2: {  	_ =	task.clear_ibuf [dreg:s7], $0x6FFFF;
	_ =	strace $0x9000004C  }
0xb3: {  	s29 =	simm.s32 $0x9;
	_ =	strace $0x8000004E  }
0xb4: {  	_ =	swait.ge [sflag:s29], $0x1  }
0xb5: {  	[sflag:s29] =	ssyncadd.s32 $0xFFFFFFFF  }
0xb6: {  	_ =	strace $0x9000004E  }
0xb7: {  	_ =	sfence  }
0xb8: {  	s30 =	sld [smem:$0x0];
	_ =	sdelay $0x2  }
0xb9: {  	s31 =	sshll.u32 s1, $0xD;
	s1 =	sshrl.u32 s1, $0x2  }
0xba: {  	s3 =	sand.u32 $0x4000, s31;
	s1 =	sadd.s32 s1, s30  }
0xbb: {  	s0 =	sor.u32 s3, s0;
	s1 =	sshll.u32 s1, $0x11  }
0xbc: {  	s0 =	sor.u32 s1, s0  }
0xbd: {  	s0 =	sadd.s32 $0x8F2B, s0  }
0xbe: {  	[sflag:s0] =	ssyncadd.remote.s32 $0x1  }
0xbf: {  	_ =	sfence.sel $0xFFFF  }
0xc0: {  	[dreg:$0x0] =	wrdreg $0xFFFFFFFF;
	(pc) =	sbr.abs _section_cstart, $3  }
0xc1: {  	[dreg:$0x1] =	wrdreg $0xFFFFFFFF  }
0xc2: {  	_ =	task.clear_ibuf [dreg:s7], $0x2FFFF;
	_ =	strace $0x9FFFFFFF  }
0xc3: {  	(tm) =	ssettm $0x7FFFFFFF  }
tec
execute0_lowered:
.L_overlay_start_1:
0x0: {  	(tag) =	ssettag $0x1  }
0x1: {  	s1 =	rddreg [dreg:$0x0]  }
0x2: {  	s2 =	rddreg [dreg:$0x1];
	s0 =	stileid.u32  }
0x3: {  	s4 =	srdreg.scid;
	s3 =	rddreg [dreg:$0x2];
	s28 =	simm.s32 $0x180  }
0x4: {  	s29 =	simm.s32 $0x10;
	s30 =	simm.s32 $0x0;
	s8 =	smul.u32 $0x2800, s0  }
0x5: {  	s14 =	sand.u32 $0x1, s4;
	s4 =	simm.s32 $0x0;
	s6 =	smul.u32 $0x14000, s0  }
0x6: {  	s15 =	sadd.s32 $0x2C00, s2;
	s16 =	sadd.s32 $0xCA00, s2;
	s9 =	smul.u32 $0x50000, s0  }
0x7: {  	s22 =	sshll.u32 s0, $0x1;
	s19 =	sadd.s32 $0x12C000, s3;
	s17 =	smul.u32 $0x4E20, s0  }
0x8: {  	s5 =	smul.u32 $0x140000, s14;
	[smem:$0x7FF] =	sst s4;
	s23 =	ssub.s32 $0x2, s14  }
0x9: {  	s18 =	smul.u32 $0x2710, s14;
	p3 =	sne.s32 s14, $0x0;
	_ =	strace $0x8000004D  }
0xa: {  	s7 =	sadd.s32 s8, s2;
	s10 =	sshrl.u32 s23, $0x1;
	s9 =	sshrl.u32 s9, $0x2  }
0xb: {  	s8 =	sadd.s32 s1, s8;
	p1 =	seq.s32 @p3 s0, $0xF;
	p4 =	seq.s32 @!p3 s0, $0xF  }
0xc: {  	s5 =	sadd.s32 s6, s5;
	s6 =	sor.u32 s14, s22;
	s13 =	ssub.s32 s23, s10  }
0xd: {  	s24 =	sadd.s32 $0x16800, s7;
	s31 =	sadd.s32 s18, s17;
	p0 =	por !p1, !p3  }
0xe: {  	p1 =	por p1, !p3;
	p2 =	por p4, p3;
	p3 =	por !p4, p3  }
0xf: {  	s22 =	simm.s32 $0x2;
	s23 =	simm.s32 $0x80;
	s5 =	sshrl.u32 s5, $0x3  }
0x10: {  	s11 =	smul.u32 $0x2710, s6;
	[dreg:$0x4] =	wrdreg s24;
	s13 =	smax.u32 s13, $0x1  }
0x11: {  	s24 =	simm.s32 $0x200;
	s12 =	sadd.s32 s5, s2;
	s5 =	sadd.s32 s9, s3  }
0x12: {  	s2 =	sadd.s32 $0x3C000, s2;
	s9 =	sadd.s32 $0x25800, s1;
	s25 =	sshrl.u32 s11, $0x3  }
0x13: {  	[dreg:$0x5] =	wrdreg s2;
	s12 =	sadd.s32 $0x3DA00, s12;
	s2 =	sshrl.u32 s31, $0x3  }
0x14: {  	s18 =	sshrl.u32 @!p1 s5, $0x3;
	s21 =	sshrl.u32 @!p2 s5, $0x3;
	s26 =	sadd.s32 $0x4E0, s25  }
0x15: {  	s14 =	sadd.s32 s2, s16;
	s25 =	simm.s32 $0x1;
	s10 =	sadd.s32 s15, s26  }
0x16: {  	s11 =	sadd.s32 s16, s26;
	s15 =	sadd.s32 s2, s15;
	s2 =	sshll.u32 @!p1 s0, $0x6  }
0x17: {  	s16 =	sshrl.u32 @!p0 s19, $0x3;
	s17 =	sor.u32 @!p1 $0x1C02, s2;
	s2 =	sshll.u32 @!p2 s0, $0x6  }
0x18: {  	s19 =	sshrl.u32 @!p3 s19, $0x3;
	s26 =	simm.s32 $0x100;
	s20 =	sor.u32 @!p2 $0x1C02, s2  }
.LBB2_1:
0x19: {  	s2 =	simm.s32 @!p0 $0x1FC2;
	s0 =	rddreg [dreg:$0x5]  }
0x1a: {  	[spmem:s16], [sflag:s2] =	dma.local @!p0 [hbm:s0], $0x1900  }
0x1b: {  	s2 =	simm.s32 @!p0 $0x2  }
0x1c: {  	_ =	swait.ge @!p0 [sflag:s2], $0x1900  }
0x1d: {  	[sflag:s2] =	ssyncset.done @!p0 $0x0  }
0x1e: {  	s0 =	rddreg [dreg:$0x4];
	[sflag:s2] =	ssyncadd.s32 @!p0 $0xFFFFE700;
	s2 =	simm.s32 @!p1 $0x2  }
0x1f: {  	[spmem:s18], [sflag:s17] =	dma.local @!p1 [hbm:s0], $0x2800  }
0x20: {  	_ =	swait.ge @!p1 [sflag:s2], $0x2800  }
0x21: {  	[sflag:s2] =	ssyncset.done @!p1 $0x0  }
0x22: {  	[sflag:s2] =	ssyncadd.s32 @!p1 $0xFFFFD800;
	s2 =	simm.s32 @!p3 $0x1FC2  }
0x23: {  	[spmem:s19], [sflag:s2] =	dma.local @!p3 [hbm:s9], $0x1900  }
0x24: {  	s2 =	simm.s32 @!p3 $0x2  }
0x25: {  	_ =	swait.ge @!p3 [sflag:s2], $0x1900  }
0x26: {  	[sflag:s2] =	ssyncset.done @!p3 $0x0  }
0x27: {  	[sflag:s2] =	ssyncadd.s32 @!p3 $0xFFFFE700;
	s2 =	simm.s32 @!p2 $0x2  }
0x28: {  	[spmem:s21], [sflag:s20] =	dma.local @!p2 [hbm:s8], $0x2800  }
0x29: {  	_ =	swait.ge @!p2 [sflag:s2], $0x2800  }
0x2a: {  	[sflag:s2] =	ssyncset.done @!p2 $0x0  }
0x2b: {  	[sflag:s2] =	ssyncadd.s32 @!p2 $0xFFFFD800  }
0x2c: {  	s6 =	sadd.s32 $0x0, s15;
	[bflag:$0x0] =	sbarrier.arrive $0xFFFF  }
0x2d: {  	[tilespmem:s4], [sflag:$0x2] =	stream.linear.gather [hbm4b:s6+s4], $0x80, $0x38;
	[tilespmem:$0x18200] =	vst v63  }
0x2e: {  	_ =	swait.ge [sflag:s22], $0x80  }
0x2f: {  	[sflag:s22] =	ssyncset.done $0x0  }
0x30: {  	s7 =	sadd.s32 $0x0, s14;
	[sflag:s22] =	ssyncadd.s32 $0xFFFFFF80  }
0x31: {  	[tilespmem:s23], [sflag:$0x2] =	stream.linear.gather [hbm4b:s7+s4], $0x80, $0x38;
	[tilespmem:$0x18200] =	vst v63  }
0x32: {  	_ =	swait.ge [sflag:s22], $0x80  }
0x33: {  	[sflag:s22] =	ssyncset.done $0x0  }
0x34: {  	[sflag:s22] =	ssyncadd.s32 $0xFFFFFF80  }
0x35: {  	[tilespmem:s24], [sflag:$0x1] =	stream.indirect.gather [hbm4b:s1+s23], $0x80, s4, s23, $0xb8;
	[tilespmem:$0x18200] =	vst v63  }
0x36: {  	_ =	swait.ge [sflag:s25], $0x4000  }
0x37: {  	[sflag:s25] =	ssyncset.done $0x0  }
0x38: {  	[sflag:s25] =	ssyncadd.s32 $0xFFFFC000  }
0x39: {  	[spmem:s3] =	stream.indirect.scatter.add.f32 [tilespmem:s24], [sflag:$0x2], $0x80, s23, s23, $0xb8;
	[tilespmem:$0x18200] =	vst v63  }
0x3a: {  	_ =	swait.ge [sflag:s22], $0x4000  }
0x3b: {  	s31 =	simm.s32 $0x10;
	s2 =	simm.s32 $0x20;
	[sflag:s22] =	ssyncset.done $0x0  }
.LBB2_2:
0x3c: {  	s0 =	sadd.s32 s31, s15  }
0x3d: {  	[sflag:s22] =	ssyncadd.s32 $0xFFFFC000;
	s6 =	smov.u32 s2;
	s7 =	sadd.s32 $0x10, s2  }
0x3e: {  	[tilespmem:s4], [sflag:$0x2] =	stream.linear.gather [hbm4b:s0+s4], $0x80, $0x38;
	[tilespmem:$0x18200] =	vst v63  }
0x3f: {  	p4 =	sne.s32 s2, $0x4D0;
	_ =	swait.ge [sflag:s22], $0x80  }
0x40: {  	[sflag:s22] =	ssyncset.done $0x0  }
0x41: {  	s0 =	sadd.s32 s31, s14;
	s31 =	smov.u32 s6;
	[sflag:s22] =	ssyncadd.s32 $0xFFFFFF80  }
0x42: {  	[tilespmem:s23], [sflag:$0x2] =	stream.linear.gather [hbm4b:s0+s4], $0x80, $0x38;
	[tilespmem:$0x18200] =	vst v63  }
0x43: {  	_ =	swait.ge [sflag:s22], $0x80  }
0x44: {  	[sflag:s22] =	ssyncset.done $0x0  }
0x45: {  	[sflag:s22] =	ssyncadd.s32 $0xFFFFFF80  }
0x46: {  	[tilespmem:s24], [sflag:$0x1] =	stream.indirect.gather [hbm4b:s1+s23], $0x80, s4, s23, $0xb8;
	[tilespmem:$0x18200] =	vst v63  }
0x47: {  	_ =	swait.ge [sflag:s25], $0x4000  }
.Ltmp0:
0x48: {  	[sflag:s25] =	ssyncset.done $0x0;
	(pc) =	sbr.rel @p4 .LBB2_2-.Ltmp0, $4  }
0x49: {  	[sflag:s25] =	ssyncadd.s32 $0xFFFFC000  }
0x4a: {  	[spmem:s3] =	stream.indirect.scatter.add.f32 [tilespmem:s24], [sflag:$0x2], $0x80, s23, s23, $0xb8;
	[tilespmem:$0x18200] =	vst v63  }
0x4b: {  	_ =	swait.ge [sflag:s22], $0x4000  }
0x4c: {  	s2 =	smov.u32 s7;
	[sflag:s22] =	ssyncset.done $0x0  }
0x4d: {  	s0 =	sadd.s32 s31, s15;
	[sflag:s22] =	ssyncadd.s32 $0xFFFFC000  }
0x4e: {  	[tilespmem:s4], [sflag:$0x2] =	stream.linear.gather [hbm4b:s0+s4], $0x80, $0x38;
	[tilespmem:$0x18200] =	vst v63  }
0x4f: {  	_ =	swait.ge [sflag:s22], $0x80  }
0x50: {  	[sflag:s22] =	ssyncset.done $0x0  }
0x51: {  	s7 =	sadd.s32 s31, s14;
	[sflag:s22] =	ssyncadd.s32 $0xFFFFFF80  }
0x52: {  	[tilespmem:s23], [sflag:$0x2] =	stream.linear.gather [hbm4b:s7+s4], $0x80, $0x38;
	[tilespmem:$0x18200] =	vst v63  }
0x53: {  	_ =	swait.ge [sflag:s22], $0x80  }
0x54: {  	[sflag:s22] =	ssyncset.done $0x0  }
0x55: {  	[sflag:s22] =	ssyncadd.s32 $0xFFFFFF80  }
0x56: {  	[tilespmem:s24], [sflag:$0x1] =	stream.indirect.gather [hbm4b:s1+s23], $0x80, s4, s23, $0xb8;
	[tilespmem:$0x18200] =	vst v63  }
0x57: {  	_ =	swait.ge [sflag:s25], $0x4000  }
0x58: {  	[sflag:s25] =	ssyncset.done $0x0  }
0x59: {  	[sflag:s25] =	ssyncadd.s32 $0xFFFFC000  }
0x5a: {  	[spmem:s3] =	stream.indirect.scatter.add.f32 [tilespmem:s24], [sflag:$0x2], $0x80, s23, s23, $0xb8;
	[tilespmem:$0x18200] =	vst v63  }
0x5b: {  	_ =	swait.ge [sflag:s22], $0x4000  }
0x5c: {  	[sflag:s22] =	ssyncset.done $0x0  }
0x5d: {  	[sflag:s22] =	ssyncadd.s32 $0xFFFFC000  }
0x5e: {  	[tilespmem:s26], [sflag:$0x2] =	stream.linear.gather [hbm4b:s10+s4], $0x10, $0x38;
	[tilespmem:$0x18200] =	vst v63  }
0x5f: {  	_ =	swait.ge [sflag:s22], $0x10  }
0x60: {  	[sflag:s22] =	ssyncset.done $0x0  }
0x61: {  	[sflag:s22] =	ssyncadd.s32 $0xFFFFFFF0  }
0x62: {  	[tilespmem:s28], [sflag:$0x2] =	stream.linear.gather [hbm4b:s11+s4], $0x10, $0x38;
	[tilespmem:$0x18200] =	vst v63  }
0x63: {  	_ =	swait.ge [sflag:s22], $0x10  }
0x64: {  	[sflag:s22] =	ssyncset.done $0x0  }
0x65: {  	[sflag:s22] =	ssyncadd.s32 $0xFFFFFFF0  }
0x66: {  	[tilespmem:s24], [sflag:$0x1] =	stream.indirect.gather [hbm4b:s1+s29], $0x80, s26, s29, $0xb8;
	[tilespmem:$0x18200] =	vst v63  }
0x67: {  	_ =	swait.ge [sflag:s25], $0x800  }
0x68: {  	[sflag:s25] =	ssyncset.done $0x0  }
0x69: {  	[sflag:s25] =	ssyncadd.s32 $0xFFFFF800  }
0x6a: {  	[spmem:s3] =	stream.indirect.scatter.add.f32 [tilespmem:s24], [sflag:$0x2], $0x80, s28, s29, $0xb8;
	[tilespmem:$0x18200] =	vst v63  }
0x6b: {  	s31 =	stileid.u32;
	_ =	swait.ge [sflag:s22], $0x800  }
0x6c: {  	s2 =	sshrl.u32 s5, $0x3;
	s30 =	sadd.s32 $0x1, s30;
	[sflag:s22] =	ssyncset.done $0x0  }
0x6d: {  	s0 =	sshll.u32 s31, $0x6;
	p4 =	sne.s32 s30, s13;
	[sflag:s22] =	ssyncadd.s32 $0xFFFFF800  }
.Ltmp1:
0x6e: {  	s0 =	sor.u32 $0x1C02, s0;
	[bflag:$0x0] =	sbarrier.arrive $0xFFFF;
	(pc) =	sbr.rel @p4 .LBB2_1-.Ltmp1, $4  }
0x6f: {  	[hbm:s12], [sflag:s0] =	dma.local [spmem:s2], $0x2800  }
0x70: {  	_ =	swait.ge [sflag:s22], $0x2800  }
0x71: {  	[sflag:s22] =	ssyncset.done $0x0  }
0x72: {  	[sflag:s22] =	ssyncadd.s32 $0xFFFFD800  }
0x73: {  	_ =	sfence.sel $0x180000  }
0x74: {  	[bflag:$0x0] =	sbarrier.arrive $0xFFFF  }
0x75: {  	_ =	strace $0x9000004D  }
0x76: {  	s0 =	stileid.u32;
	[bflag:$0x2] =	sbarrier.arrive $0xFFFF  }
0x77: {  	p0 =	sne.s32 s0, $0x0;
	s0 =	rddreg [dreg:$0x3]  }
0x78: {  	s0 =	sadd.s32 @!p0 $0x100000, s0  }
0x79: {  	[sflag:s0] =	ssyncadd.tile.s32 @!p0 $0x1;
	_ =	shalt  }
.Lfunc_end2:
_tile_overlayer_lowered:
.L_overlay_start_2:
0x7a: {  	(tag) =	ssettag $0x2  }
0x7b: {  	s0 =	rddreg [dreg:$0x0];
	s2 =	stileid.u32  }
0x7c: {  	s1 =	rddreg [dreg:$0x1];
	p0 =	sne.s32 s2, $0x0  }
0x7d: {  	s3 =	rddreg [dreg:$0x2];
	[bflag:$0x3] =	sbarrier.arrive $0xFFFF;
	s2 =	simm.s32 @!p0 $0x1C02  }
0x7e: {  	[timem:s3], [sflag:s2] =	dma.local @!p0 [hbm:s0], s1  }
0x7f: {  	s0 =	simm.s32 @!p0 $0x2  }
0x80: {  	_ =	swait.ge @!p0 [sflag:s0], s1  }
0x81: {  	s1 =	ssub.s32 @!p0 $0x0, s1;
	[sflag:s0] =	ssyncset.done @!p0 $0x0  }
0x82: {  	[sflag:s0] =	ssyncadd.s32 @!p0 s1  }
0x83: {  	[bflag:$0x3] =	sbarrier.arrive $0xFFFF  }
0x84: {  	_ =	shalt  }

// kernel: kernel.8.cloned.1.call-start
scs
__scs_entry_jumppad:
0x0: {  	(pc) =	sbr.rel $0x88, $3  }
0x1: {  	(tag) =	ssettag $0x0;
	lr =	simm.s32 $0x1  }
0x2: {  	[smem:$0x3F94] =	sst lr;
	_ =	strace $0xD0000000  }
0x3: {  	_ = 	snop  }
0x4: {  	_ = 	snop  }
0x5: {  	_ = 	snop  }
0x6: {  	_ = 	snop  }
0x7: {  	_ = 	snop  }
__scs_overlays_trampoline_lowered:
0x8: {  	[smem:$0x3FA3] =	sst s0  }
0x9: {  	[smem:$0x3FA4] =	sst s1  }
0xa: {  	[smem:$0x3FA5] =	sst s2  }
0xb: {  	[smem:$0x3FA6] =	sst s3  }
0xc: {  	[smem:$0x3FA7] =	sst s4  }
0xd: {  	[smem:$0x3FA8] =	sst s5  }
0xe: {  	[smem:$0x3FA9] =	sst s6  }
0xf: {  	[smem:$0x3FAA] =	sst s7  }
0x10: {  	[smem:$0x3FAB] =	sst s8  }
0x11: {  	[smem:$0x3FAC] =	sst s9;
	s0 =	simm.s32 @!p0 $0x0  }
0x12: {  	s1 =	sld [smem:$0x3F92];
	s0 =	simm.s32 @p0 $0x1  }
0x13: {  	[smem:$0x3FAD] =	sst s0;
	s0 =	simm.s32 @!p1 $0x0  }
0x14: {  	s2 =	sld [smem:$0x3F91];
	s0 =	simm.s32 @p1 $0x1  }
0x15: {  	[smem:$0x3FAE] =	sst s0;
	s0 =	simm.s32 @!p2 $0x0  }
0x16: {  	s3 =	sld [smem:$0x3FDB];
	s0 =	simm.s32 @p2 $0x1  }
0x17: {  	s4 =	simm.s32 $0x1BF5;
	[smem:$0x3FB0] =	sst s0  }
0x18: {  	s0 =	sld [smem:$0x3F93];
	_ =	swait.ge [sflag:s4], $0x0  }
0x19: {  	s7 =	sld [smem:$0x3F94]  }
0x1a: {  	s8 =	sadd.s32 $0xFFFFE003, lr  }
0x1b: {  	s9 =	sadd.s32 $0xFFFFFEF7, lr;
	s5 =	simm.s32 $0xFFFFFFFF;
	p2 =	slt.u32 s8, $0xFFFFF086  }
0x1c: {  	p1 =	slt.u32 s9, $0xF7A;
	s5 =	simm.s32 @!p2 $0x0  }
0x1d: {  	s5 =	simm.s32 @p1 $0x1;
	p0 =	seq.s32 s7, s2  }
0x1e: {  	s7 =	smul.u32 @!p0 $0xF7A, s2;
	p2 =	seq.s32 @!p0 s5, $0x0  }
0x1f: {  	s9 =	smul.u32 $0xF7A, s1;
	s8 =	simm.s32 @!p0 $0x1BF5;
	p2 =	por !p2, p0  }
0x20: {  	[sflag:s8] =	ssyncset.s32 @!p0 $0xFFFFF086;
	s6 =	sadd.s32 @!p0 s3, s7;
	s7 =	simm.s32 @!p0 $0x108  }
0x21: {  	s3 =	sadd.s32 s3, s9;
	s6 =	sadd.s32 @!p0 $0x88, s6;
	s7 =	simm.s32 @p2 $0x1082  }
0x22: {  	[simem:s7], [sflag:s8] =	dma.local @!p0 [hbm:s6], $0xF7A  }
0x23: {  	s9 =	sor.u32 $0xD0000000, s2;
	s6 =	simm.s32 $0x108;
	_ =	swait.ge @!p0 [sflag:s8], $0x0  }
0x24: {  	s3 =	sadd.s32 $0x88, s3;
	s6 =	simm.s32 @!p1 $0x1082;
	[sflag:s4] =	ssyncset.s32 $0xFFFFF086  }
0x25: {  	[simem:s6], [sflag:s4] =	dma.local [hbm:s3], $0xF7A  }
0x26: {  	[smem:$0x3F94] =	sst s1;
	(tag) =	ssettag s2;
	_ =	strace s9  }
0x27: {  	s1 =	sld [smem:$0x3FA4]  }
0x28: {  	s2 =	sld [smem:$0x3FA5]  }
0x29: {  	s4 =	sld [smem:$0x3FA7]  }
0x2a: {  	p0 =	seq.s32 s5, $0x0;
	s5 =	sld [smem:$0x3FA8]  }
0x2b: {  	s6 =	sld [smem:$0x3FA9]  }
0x2c: {  	s7 =	sld [smem:$0x3FAA]  }
0x2d: {  	s3 =	simm.s32 $0x108;
	s8 =	sld [smem:$0x3FAB]  }
0x2e: {  	s3 =	simm.s32 @!p0 $0x1082;
	s9 =	sld [smem:$0x3FAC]  }
0x2f: {  	lr =	sadd.s32 s0, s3;
	s0 =	sld [smem:$0x3FA3]  }
0x30: {  	s3 =	sld [smem:$0x3FA6]  }
0x31: {  	[smem:$0x3FAF] =	sst s10  }
0x32: {  	s10 =	sld [smem:$0x3FAD];
	_ =	sdelay $0x3  }
0x33: {  	p0 =	seq.s32 s10, $0x1;
	s10 =	sld [smem:$0x3FAF];
	_ =	sdelay $0x3  }
0x34: {  	[smem:$0x3FAF] =	sst s10  }
0x35: {  	s10 =	sld [smem:$0x3FAE];
	_ =	sdelay $0x3  }
0x36: {  	p1 =	seq.s32 s10, $0x1;
	s10 =	sld [smem:$0x3FAF];
	_ =	sdelay $0x3  }
0x37: {  	[smem:$0x3FAF] =	sst s10  }
0x38: {  	s10 =	sld [smem:$0x3FB0]  }
0x39: {  	_ = 	snop;
	(pc) =	sbr.ind lr, $3  }
0x3a: {  	_ = 	snop  }
0x3b: {  	_ = 	snop  }
0x3c: {  	p2 =	seq.s32 s10, $0x1;
	s10 =	sld [smem:$0x3FAF]  }
0x3d: {  	_ =	shalt  }
0x3e: {  	_ =	shalt  }
0x3f: {  	_ =	shalt  }
0x40: {  	_ =	shalt  }
0x41: {  	_ =	shalt  }
0x42: {  	_ =	shalt  }
0x43: {  	_ =	shalt  }
0x44: {  	_ =	shalt  }
0x45: {  	_ =	shalt  }
0x46: {  	_ =	shalt  }
0x47: {  	_ =	shalt  }
0x48: {  	_ =	shalt  }
0x49: {  	_ =	shalt  }
0x4a: {  	_ =	shalt  }
0x4b: {  	_ =	shalt  }
0x4c: {  	_ =	shalt  }
0x4d: {  	_ =	shalt  }
0x4e: {  	_ =	shalt  }
0x4f: {  	_ =	shalt  }
0x50: {  	_ =	shalt  }
0x51: {  	_ =	shalt  }
0x52: {  	_ =	shalt  }
0x53: {  	_ =	shalt  }
0x54: {  	_ =	shalt  }
0x55: {  	_ =	shalt  }
0x56: {  	_ =	shalt  }
0x57: {  	_ =	shalt  }
0x58: {  	_ =	shalt  }
0x59: {  	_ =	shalt  }
0x5a: {  	_ =	shalt  }
0x5b: {  	_ =	shalt  }
0x5c: {  	_ =	shalt  }
0x5d: {  	_ =	shalt  }
0x5e: {  	_ =	shalt  }
0x5f: {  	_ =	shalt  }
0x60: {  	_ =	shalt  }
0x61: {  	_ =	shalt  }
0x62: {  	_ =	shalt  }
0x63: {  	_ =	shalt  }
0x64: {  	_ =	shalt  }
0x65: {  	_ =	shalt  }
0x66: {  	_ =	shalt  }
0x67: {  	_ =	shalt  }
0x68: {  	_ =	shalt  }
0x69: {  	_ =	shalt  }
0x6a: {  	_ =	shalt  }
0x6b: {  	_ =	shalt  }
0x6c: {  	_ =	shalt  }
0x6d: {  	_ =	shalt  }
0x6e: {  	_ =	shalt  }
0x6f: {  	_ =	shalt  }
0x70: {  	_ =	shalt  }
0x71: {  	_ =	shalt  }
0x72: {  	_ =	shalt  }
0x73: {  	_ =	shalt  }
0x74: {  	_ =	shalt  }
0x75: {  	_ =	shalt  }
0x76: {  	_ =	shalt  }
0x77: {  	_ =	shalt  }
0x78: {  	_ =	shalt  }
0x79: {  	_ =	shalt  }
0x7a: {  	_ =	shalt  }
0x7b: {  	_ =	shalt  }
0x7c: {  	_ =	shalt  }
0x7d: {  	_ =	shalt  }
0x7e: {  	_ =	shalt  }
0x7f: {  	_ =	shalt  }
0x80: {  	_ =	shalt  }
0x81: {  	_ =	shalt  }
0x82: {  	_ =	shalt  }
0x83: {  	_ =	shalt  }
0x84: {  	_ =	shalt  }
0x85: {  	_ =	shalt  }
0x86: {  	_ =	shalt  }
0x87: {  	_ =	shalt  }
.Lfunc_end0:
.L_simem_size_0:
called_computation_lowered:
.L_overlay_start_0:
0x88: {  	s2 =	sld [smem:$0x3FD9]  }
0x89: {  	s3 =	sld [smem:$0x3FFE];
	_ =	sdelay $0x1  }
0x8a: {  	s1 =	srdreg.scid  }
0x8b: {  	s0 =	sand.u32 $0x1, s1  }
0x8c: {  	s17 =	sshll.u32 s0, $0xA;
	s2 =	sadd.s32 s3, s2  }
0x8d: {  	s2 =	sadd.s32 s2, s17  }
0x8e: {  	[smem:$0x3FBB] =	sst s2  }
0x8f: {  	_ = 	snop  }
0x90: {  	s2 =	sld [smem:$0x3FD0];
	(tm) =	ssettm $0x1  }
0x91: {  	s18 =	sld [smem:$0x3FFB];
	_ =	sdelay $0x3  }
0x92: {  	_ =	strace s18  }
0x93: {  	s3 =	sld [smem:$0x3FFC];
	_ =	sdelay $0x3  }
0x94: {  	_ =	strace s3  }
0x95: {  	s3 =	sld [smem:$0x3FFD];
	_ =	sdelay $0x3  }
0x96: {  	_ =	strace s3  }
0x97: {  	_ =	strace $0x8FFFFFFF  }
0x98: {  	s19 =	sld [smem:$0x3FDB];
	_ =	sdelay $0x1  }
0x99: {  	s4 =	simm.s32 $_scs_section_size  }
0x9a: {  	s5 =	simm.s32 $_size__tile_overlayer_lowered;
	s6 =	simm.s32 $_tile_overlayer_lowered  }
0x9b: {  	s22 =	simm.s32 $0x1BFF;
	s21 =	sshll.u32 s6, $0x1;
	s3 =	sadd.s32 s4, s19  }
0x9c: {  	s7 =	simm.s32 $0x0;
	s20 =	sshll.u32 s5, $0x1;
	s5 =	sadd.s32 s21, s3  }
0x9d: {  	[timem:s7], [sflag:s22] =	dma.local [hbm:s5], s20  }
0x9e: {  	_ =	swait.ge [sflag:s22], s20  }
0x9f: {  	s4 =	ssub.s32 $0x0, s20;
	[sflag:s22] =	ssyncset.done $0x0  }
0xa0: {  	[sflag:s22] =	ssyncadd.s32 s4;
	_ =	sdelay $0x1  }
0xa1: {  	s23 =	simm.s32 $0x1B8B  }
0xa2: {  	_ =	swait.ge [sflag:s23], $0x1  }
0xa3: {  	[sflag:s23] =	ssyncset.done $0x0  }
0xa4: {  	s25 =	simm.s32 $0x1B8E;
	s24 =	sld [smem:$0x3FFE];
	[sflag:s23] =	ssyncadd.s32 $0xFFFFFFFF  }
0xa5: {  	s26 =	simm.s32 $execute0_lowered;
	[smem:$0x3FD2] =	sst s25  }
0xa6: {  	s5 =	sshll.u32 s26, $0x1;
	_ =	strace $0x80000046;
	[dreg:$0x1] =	wrdreg $0xFFFFFFFF  }
0xa7: {  	s28 =	simm.s32 $_size_execute0_lowered;
	s3 =	sadd.s32 s3, s5;
	[dreg:$0x0] =	wrdreg $0x0  }
0xa8: {  	s5 =	sshll.u32 s28, $0x1;
	[dreg:$0x2] =	wrdreg s3  }
0xa9: {  	[dreg:$0x3] =	wrdreg s5  }
0xaa: {  	[dreg:$0x4] =	wrdreg $0xC0  }
0xab: {  	_ =	task [dreg:s7], $0x5FFFF  }
0xac: {  	[dreg:$0x1] =	wrdreg $0xFFFFFFFF  }
0xad: {  	[dreg:$0x0] =	wrdreg $0x60  }
0xae: {  	[dreg:$0x2] =	wrdreg s24  }
0xaf: {  	[dreg:$0x3] =	wrdreg s2  }
0xb0: {  	[dreg:$0x4] =	wrdreg $0x1800  }
0xb1: {  	[dreg:$0x5] =	wrdreg $0x9  }
0xb2: {  	_ =	task.clear_ibuf [dreg:s7], $0x6FFFF;
	_ =	strace $0x90000046  }
0xb3: {  	s29 =	simm.s32 $0x9;
	_ =	strace $0x80000048  }
0xb4: {  	_ =	swait.ge [sflag:s29], $0x1  }
0xb5: {  	[sflag:s29] =	ssyncadd.s32 $0xFFFFFFFF  }
0xb6: {  	_ =	strace $0x90000048  }
0xb7: {  	_ =	sfence  }
0xb8: {  	s30 =	sld [smem:$0x0];
	_ =	sdelay $0x2  }
0xb9: {  	s31 =	sshll.u32 s1, $0xD;
	s1 =	sshrl.u32 s1, $0x2  }
0xba: {  	s3 =	sand.u32 $0x4000, s31;
	s1 =	sadd.s32 s1, s30  }
0xbb: {  	s0 =	sor.u32 s3, s0;
	s1 =	sshll.u32 s1, $0x11  }
0xbc: {  	s0 =	sor.u32 s1, s0  }
0xbd: {  	s0 =	sadd.s32 $0x8F2B, s0  }
0xbe: {  	[sflag:s0] =	ssyncadd.remote.s32 $0x1  }
0xbf: {  	_ =	sfence.sel $0xFFFF  }
0xc0: {  	[dreg:$0x0] =	wrdreg $0xFFFFFFFF;
	(pc) =	sbr.abs _section_cstart, $3  }
0xc1: {  	[dreg:$0x1] =	wrdreg $0xFFFFFFFF  }
0xc2: {  	_ =	task.clear_ibuf [dreg:s7], $0x2FFFF;
	_ =	strace $0x9FFFFFFF  }
0xc3: {  	(tm) =	ssettm $0x7FFFFFFF  }
tec
execute0_lowered:
.L_overlay_start_1:
0x0: {  	(tag) =	ssettag $0x1  }
0x1: {  	s5 =	rddreg [dreg:$0x0]  }
0x2: {  	s7 =	rddreg [dreg:$0x1]  }
0x3: {  	s2 =	rddreg [dreg:$0x2]  }
0x4: {  	s0 =	rddreg [dreg:$0x3]  }
0x5: {  	s3 =	simm.s32 $0x0;
	s1 =	stileid.u32;
	s4 =	srdreg.scid  }
0x6: {  	s16 =	simm.s32 $0x20;
	s17 =	simm.s32 $0x0;
	[smem:$0x7FF] =	sst s3  }
0x7: {  	s6 =	sand.u32 $0x1, s4;
	s24 =	sshll.u32 s1, $0x1;
	s8 =	smul.u32 $0x280, s1  }
0x8: {  	s10 =	sadd.s32 $0xCA00, s5;
	s4 =	sadd.s32 $0x16E00, s5;
	s13 =	smul.u32 $0x500, s1  }
0x9: {  	s14 =	smul.u32 $0x4E20, s1;
	s31 =	sshll.u32 s1, $0x6;
	_ =	strace $0x80000047  }
0xa: {  	s9 =	sor.u32 s6, s24;
	s12 =	ssub.s32 $0x2, s6;
	s26 =	smul.u32 $0x2710, s6  }
0xb: {  	s6 =	sshll.u32 s6, $0x7;
	s9 =	smul.u32 $0x2710, s9;
	s11 =	sshrl.u32 s8, $0x3  }
0xc: {  	s25 =	sshrl.u32 s12, $0x1;
	s15 =	sadd.s32 s8, s2;
	s28 =	sor.u32 s6, s13  }
0xd: {  	s5 =	sadd.s32 s11, s5;
	s11 =	ssub.s32 s12, s25;
	s8 =	sadd.s32 s26, s14  }
0xe: {  	s29 =	sshrl.u32 s28, $0x3;
	s12 =	sor.u32 $0x1C01, s31;
	s13 =	sshrl.u32 s15, $0x3  }
0xf: {  	s14 =	simm.s32 $0x80;
	s15 =	simm.s32 $0x10;
	s5 =	sadd.s32 $0x16800, s5  }
0x10: {  	s9 =	sshrl.u32 s9, $0x3;
	s30 =	sshrl.u32 s8, $0x3;
	s7 =	sadd.s32 s7, s29  }
0x11: {  	s8 =	smax.u32 s11, $0x1;
	s11 =	simm.s32 $0x1;
	s9 =	sadd.s32 s10, s9  }
0x12: {  	s6 =	sadd.s32 $0x4E0, s9;
	s9 =	sadd.s32 s30, s10;
	s10 =	simm.s32 $0x100  }
.LBB2_1:
0x13: {  	[tilespmem:s10], [sflag:$0x1] =	stream.linear.gather [hbm4b:s4+s3], $0x80, $0x38;
	[tilespmem:$0x400] =	vst v63  }
0x14: {  	_ =	swait.ge [sflag:s11], $0x80  }
0x15: {  	[sflag:s11] =	ssyncset.done $0x0  }
0x16: {  	[sflag:s11] =	ssyncadd.s32 $0xFFFFFF80  }
0x17: {  	[spmem:s13], [sflag:s12] =	dma.local [hbm:s5], $0x50  }
0x18: {  	_ =	swait.ge [sflag:s11], $0x50  }
0x19: {  	[sflag:s11] =	ssyncset.done $0x0  }
0x1a: {  	[sflag:s11] =	ssyncadd.s32 $0xFFFFFFB0  }
0x1b: {  	s18 =	sadd.s32 $0x0, s9;
	[bflag:$0x0] =	sbarrier.arrive $0xFFFF  }
0x1c: {  	[tilespmem:s3], [sflag:$0x1] =	stream.linear.gather [hbm4b:s18+s3], $0x80, $0x38;
	[tilespmem:$0x400] =	vst v63  }
0x1d: {  	_ =	swait.ge [sflag:s11], $0x80  }
0x1e: {  	[sflag:s11] =	ssyncset.done $0x0  }
0x1f: {  	[sflag:s11] =	ssyncadd.s32 $0xFFFFFF80  }
0x20: {  	[spmem:s2] =	stream.indirect.scatter.add.f32 [tilespmem:s10], [sflag:$0x1], $0x1, s3, s14, $0xb8;
	[tilespmem:$0x400] =	vst v63  }
0x21: {  	_ =	swait.ge [sflag:s11], $0x80  }
0x22: {  	s19 =	simm.s32 $0x20;
	s18 =	simm.s32 $0x10;
	[sflag:s11] =	ssyncset.done $0x0  }
.LBB2_2:
0x23: {  	s20 =	sadd.s32 s18, s9  }
0x24: {  	[sflag:s11] =	ssyncadd.s32 $0xFFFFFF80;
	s18 =	smov.u32 s19;
	s21 =	sadd.s32 $0x10, s19  }
0x25: {  	[tilespmem:s3], [sflag:$0x1] =	stream.linear.gather [hbm4b:s20+s3], $0x80, $0x38;
	[tilespmem:$0x400] =	vst v63  }
0x26: {  	p0 =	sne.s32 s19, $0x4D0;
	_ =	swait.ge [sflag:s11], $0x80  }
.Ltmp0:
0x27: {  	[sflag:s11] =	ssyncset.done $0x0;
	(pc) =	sbr.rel @p0 .LBB2_2-.Ltmp0, $4  }
0x28: {  	[sflag:s11] =	ssyncadd.s32 $0xFFFFFF80  }
0x29: {  	[spmem:s2] =	stream.indirect.scatter.add.f32 [tilespmem:s10], [sflag:$0x1], $0x1, s3, s14, $0xb8;
	[tilespmem:$0x400] =	vst v63  }
0x2a: {  	_ =	swait.ge [sflag:s11], $0x80  }
0x2b: {  	s19 =	smov.u32 s21;
	[sflag:s11] =	ssyncset.done $0x0  }
0x2c: {  	s18 =	sadd.s32 s18, s9;
	[sflag:s11] =	ssyncadd.s32 $0xFFFFFF80  }
0x2d: {  	[tilespmem:s3], [sflag:$0x1] =	stream.linear.gather [hbm4b:s18+s3], $0x80, $0x38;
	[tilespmem:$0x400] =	vst v63  }
0x2e: {  	_ =	swait.ge [sflag:s11], $0x80  }
0x2f: {  	[sflag:s11] =	ssyncset.done $0x0  }
0x30: {  	[sflag:s11] =	ssyncadd.s32 $0xFFFFFF80  }
0x31: {  	[spmem:s2] =	stream.indirect.scatter.add.f32 [tilespmem:s10], [sflag:$0x1], $0x1, s3, s14, $0xb8;
	[tilespmem:$0x400] =	vst v63  }
0x32: {  	_ =	swait.ge [sflag:s11], $0x80  }
0x33: {  	[sflag:s11] =	ssyncset.done $0x0  }
0x34: {  	[sflag:s11] =	ssyncadd.s32 $0xFFFFFF80  }
0x35: {  	[tilespmem:s14], [sflag:$0x1] =	stream.linear.gather [hbm4b:s6+s3], $0x10, $0x38;
	[tilespmem:$0x400] =	vst v63  }
0x36: {  	_ =	swait.ge [sflag:s11], $0x10  }
0x37: {  	[sflag:s11] =	ssyncset.done $0x0  }
0x38: {  	[sflag:s11] =	ssyncadd.s32 $0xFFFFFFF0  }
0x39: {  	[spmem:s2] =	stream.indirect.scatter.add.f32 [tilespmem:s10], [sflag:$0x1], $0x1, s14, s15, $0xb8;
	[tilespmem:$0x400] =	vst v63  }
0x3a: {  	_ =	swait.ge [sflag:s11], $0x10  }
0x3b: {  	s17 =	sadd.s32 $0x1, s17;
	[sflag:s11] =	ssyncset.done $0x0  }
0x3c: {  	p0 =	sne.s32 s17, s8;
	[sflag:s11] =	ssyncadd.s32 $0xFFFFFFF0  }
.Ltmp1:
0x3d: {  	[bflag:$0x0] =	sbarrier.arrive $0xFFFF;
	(pc) =	sbr.rel @p0 .LBB2_1-.Ltmp1, $4  }
0x3e: {  	[hbm:s7@s16], [sflag:s12] =	dma.strided [spmem:s13@s15], $0x50, s11, $0x10   }
0x3f: {  	_ =	swait.ge [sflag:s11], $0x50  }
0x40: {  	[sflag:s11] =	ssyncset.done $0x0  }
0x41: {  	[sflag:s11] =	ssyncadd.s32 $0xFFFFFFB0  }
0x42: {  	_ =	sfence.sel $0x180000  }
0x43: {  	[bflag:$0x0] =	sbarrier.arrive $0xFFFF  }
0x44: {  	p0 =	sne.s32 s1, $0x0;
	_ =	strace $0x90000047  }
0x45: {  	s0 =	sadd.s32 @!p0 $0x100000, s0;
	[bflag:$0x2] =	sbarrier.arrive $0xFFFF  }
0x46: {  	[sflag:s0] =	ssyncadd.tile.s32 @!p0 $0x1;
	_ =	shalt  }
.Lfunc_end2:
_tile_overlayer_lowered:
.L_overlay_start_2:
0x47: {  	(tag) =	ssettag $0x2  }
0x48: {  	s0 =	rddreg [dreg:$0x0];
	s2 =	stileid.u32  }
0x49: {  	s1 =	rddreg [dreg:$0x1];
	p0 =	sne.s32 s2, $0x0  }
0x4a: {  	s3 =	rddreg [dreg:$0x2];
	[bflag:$0x3] =	sbarrier.arrive $0xFFFF;
	s2 =	simm.s32 @!p0 $0x1C01  }
0x4b: {  	[timem:s3], [sflag:s2] =	dma.local @!p0 [hbm:s0], s1  }
0x4c: {  	s0 =	simm.s32 @!p0 $0x1  }
0x4d: {  	_ =	swait.ge @!p0 [sflag:s0], s1  }
0x4e: {  	s1 =	ssub.s32 @!p0 $0x0, s1;
	[sflag:s0] =	ssyncset.done @!p0 $0x0  }
0x4f: {  	[sflag:s0] =	ssyncadd.s32 @!p0 s1  }
0x50: {  	[bflag:$0x3] =	sbarrier.arrive $0xFFFF  }
0x51: {  	_ =	shalt  }

</sc_bundles>
